<compile_context>
chip_gen: v7x
topology: tpu7x:2x2x1
jax: 0.10.2.dev20260603
libtpu: 0.0.44.dev20260713+nightly
codegen_flags: <defaults>
</compile_context>

<pallas_src>
import numpy as np

import jax
import jax.numpy as jnp
from jax import lax
from jax.experimental import pallas as pl
from jax.experimental.pallas import tpu as pltpu
from jax.experimental.pallas import tpu_sc as plsc

N = 10000
E = 320000
D = 128
H = 128

NC = 2
NS = 16
NW = NC * NS

CHUNK = 128
CPT = 80
HALF = CPT // 2
EPT = CPT * CHUNK
E_PAD = EPT * NW

N_PAD = 10112

RPT = N_PAD // NS

_sc_mesh = plsc.VectorSubcoreMesh(core_axis_name="c", subcore_axis_name="s")


ZCOPY = 120


def _sc_agg_body(edge_hbm, feat_hbm, out_hbm,
                 src_v, dst_v, rows0, rows1, agg_sh, sem0, sem1):
    c = lax.axis_index("c")
    s = lax.axis_index("s")
    wid = c * NS + s

    zvec = jnp.zeros((16,), jnp.float32)

    SPL = 64

    def gather(j, buf, sem):
        pltpu.async_copy(feat_hbm.at[src_v.at[j, pl.ds(0, SPL)]],
                         buf.at[pl.ds(0, SPL)], sem)
        pltpu.async_copy(feat_hbm.at[src_v.at[j, pl.ds(SPL, CHUNK - SPL)]],
                         buf.at[pl.ds(SPL, CHUNK - SPL)], sem)

    def gather_wait(j, buf, sem):
        pltpu.make_async_copy(feat_hbm.at[src_v.at[j, pl.ds(0, SPL)]],
                              buf.at[pl.ds(0, SPL)], sem).wait()
        pltpu.make_async_copy(feat_hbm.at[src_v.at[j, pl.ds(SPL, CHUNK - SPL)]],
                              buf.at[pl.ds(SPL, CHUNK - SPL)], sem).wait()

    def scatter(j, buf):
        pltpu.sync_copy(buf, agg_sh.at[dst_v.at[j]], add=True)

    for h in range(CPT // HALF):
        pltpu.sync_copy(edge_hbm.at[0, wid, pl.ds(h * HALF, HALF)], src_v)
        pltpu.sync_copy(edge_hbm.at[1, wid, pl.ds(h * HALF, HALF)], dst_v)

        gather(0, rows0, sem0)

        if h == 0:
            def zrow(r, carry):
                for k in range(D // 16):
                    rows1[r, pl.ds(k * 16, 16)] = zvec
                return carry

            lax.fori_loop(0, ZCOPY, zrow, 0)
            base = s * RPT
            for z in range(RPT // ZCOPY):
                pltpu.sync_copy(rows1.at[pl.ds(0, ZCOPY)],
                                agg_sh.at[pl.ds(base + z * ZCOPY, ZCOPY)])
            rem = RPT % ZCOPY
            if rem:
                pltpu.sync_copy(rows1.at[pl.ds(0, rem)],
                                agg_sh.at[pl.ds(base + RPT - rem, rem)])
            plsc.subcore_barrier()

        gather(1, rows1, sem1)

        def step(i, carry):
            g = 2 * i
            gather_wait(g, rows0, sem0)
            scatter(g, rows0)
            gather(g + 2, rows0, sem0)
            gather_wait(g + 1, rows1, sem1)
            scatter(g + 1, rows1)
            gather(g + 3, rows1, sem1)
            return carry

        lax.fori_loop(0, HALF // 2 - 1, step, 0)

        gather_wait(HALF - 2, rows0, sem0)
        scatter(HALF - 2, rows0)
        gather_wait(HALF - 1, rows1, sem1)
        scatter(HALF - 1, rows1)

    plsc.subcore_barrier()
    pltpu.sync_copy(agg_sh.at[pl.ds(s * RPT, RPT)],
                    out_hbm.at[c, pl.ds(s * RPT, RPT)])


_sc_agg = pl.kernel(
    _sc_agg_body,
    out_type=jax.ShapeDtypeStruct((NC, N_PAD, D), jnp.float32),
    mesh=_sc_mesh,
    scratch_types=[
        pltpu.VMEM((HALF, CHUNK), jnp.int32),
        pltpu.VMEM((HALF, CHUNK), jnp.int32),
        pltpu.VMEM((CHUNK, D), jnp.float32),
        pltpu.VMEM((CHUNK, D), jnp.float32),
        pltpu.VMEM_SHARED((N_PAD, D), jnp.float32),
        pltpu.SemaphoreType.DMA,
        pltpu.SemaphoreType.DMA,
    ],
)


def _tc_mlp_body(feat_ref, agg_ref, w1_ref, b1_ref, w2_ref, b2_ref,
                 gamma_ref, beta_ref, out_ref):
    agg = agg_ref[0, :N, :] + agg_ref[1, :N, :]
    h = 2.0 * feat_ref[...] + agg
    h = jnp.dot(h, w1_ref[...], preferred_element_type=jnp.float32) + b1_ref[...]
    h = jnp.maximum(h, 0.0)
    h = jnp.dot(h, w2_ref[...], preferred_element_type=jnp.float32) + b2_ref[...]
    mean = jnp.mean(h, axis=0, keepdims=True)
    var = jnp.mean((h - mean) * (h - mean), axis=0, keepdims=True)
    h = (h - mean) * lax.rsqrt(var + 1e-5) * gamma_ref[...] + beta_ref[...]
    out_ref[...] = jnp.maximum(h, 0.0)


_tc_mlp = pl.pallas_call(
    _tc_mlp_body,
    out_shape=jax.ShapeDtypeStruct((N, H), jnp.float32),
)


_pad_n = E_PAD - E
_pad_i = np.arange(_pad_n, dtype=np.int32)
_PAD_EDGES = np.stack([_pad_i % N, N + _pad_i % (N_PAD - N)]).reshape(2, -1, CHUNK)


def kernel(features, edge_index, W1, b1, W2, b2, gamma, beta):
    edges = jnp.concatenate(
        [edge_index.reshape(2, E // CHUNK, CHUNK), jnp.asarray(_PAD_EDGES)],
        axis=1).reshape(2, NW, CPT, CHUNK)
    agg = _sc_agg(edges, features)
    return _tc_mlp(features, agg,
                   W1, b1.reshape(1, H), W2, b2.reshape(1, H),
                   gamma.reshape(1, H), beta.reshape(1, H))

# --- scband reference (transcript-rebuilt; emitter-appended) ---
"""Pipeline reference for scband-ginmodel-31628139167864 (READ-ONLY COPY).

The authoritative reference and input builder live on the scoring server;
editing this copy changes nothing except your own understanding.
"""

import jax, jax.numpy as jnp
import numpy as np

N = 10000
E = 320000
D = 128
H = 128

def setup_inputs(seed: int = 0):
    key = jax.random.key(seed)
    ks = jax.random.split(key, 8)
    features = jax.random.normal(ks[0], (N, D), dtype=jnp.float32)
    edge_index = jax.random.randint(ks[1], (2, E), 0, N, dtype=jnp.int32)
    W1 = jax.random.normal(ks[2], (D, H), dtype=jnp.float32) * (1.0 / np.sqrt(D))
    b1 = jnp.zeros((H,), dtype=jnp.float32)
    W2 = jax.random.normal(ks[3], (H, H), dtype=jnp.float32) * (1.0 / np.sqrt(H))
    b2 = jnp.zeros((H,), dtype=jnp.float32)
    gamma = jnp.ones((H,), dtype=jnp.float32)
    beta = jnp.zeros((H,), dtype=jnp.float32)
    return {"features": features, "edge_index": edge_index, "W1": W1, "b1": b1, "W2": W2, "b2": b2, "gamma": gamma, "beta": beta}

def reference(features, edge_index, W1, b1, W2, b2, gamma, beta):
    # GINModel forward, num_layers=1, eval-mode dropout (identity), do_train=False
    n = features.shape[0]
    # dgl.add_self_loop: append (i, i) edges for every node
    loop = jnp.arange(n, dtype=edge_index.dtype)
    src = jnp.concatenate([edge_index[0], loop])
    dst = jnp.concatenate([edge_index[1], loop])
    # GINConv, aggregator='sum', eps=0: h = (1+eps)*x + sum_{j->i} x_j (self-loop included in sum)
    agg = jax.ops.segment_sum(jnp.take(features, src, axis=0), dst, num_segments=n)
    h = features + agg
    # apply_func: Linear(D,H) -> ReLU -> Linear(H,H)
    h = jnp.dot(jax.nn.relu(jnp.dot(h, W1) + b1), W2) + b2
    # BatchNorm1d (batch statistics, eps=1e-5)
    mean = jnp.mean(h, axis=0)
    var = jnp.var(h, axis=0)
    h = (h - mean) / jnp.sqrt(var + 1e-5) * gamma + beta
    # activation = ReLU; feat_drop identity in eval; return embedding
    return jax.nn.relu(h)

if __name__ == "__main__":
    import jax
    _d = setup_inputs()
    print(jax.jit(kernel)(*tuple(_d.values())))

</pallas_src>

<mosaic_0001>
#map = affine_map<(d0, d1) -> (0, 0, 0, 0)>
#map1 = affine_map<(d0, d1) -> (0, 0)>
#map2 = affine_map<(d0, d1) -> (0, 0, 0)>
module attributes {stable_mosaic.version = 14 : i64} {
  func.func @_sc_agg_body(%arg0: i32, %arg1: i32, %arg2: memref<2x32x80x128xi32, #tpu.memory_space<hbm>>, %arg3: memref<10000x128xf32, #tpu.memory_space<hbm>>, %arg4: memref<2x10112x128xf32, #tpu.memory_space<hbm>>, %arg5: memref<40x128xi32, #tpu.memory_space<vmem>>, %arg6: memref<40x128xi32, #tpu.memory_space<vmem>>, %arg7: memref<128x128xf32, #tpu.memory_space<vmem>>, %arg8: memref<128x128xf32, #tpu.memory_space<vmem>>, %arg9: memref<10112x128xf32, #tpu.memory_space<vmem_shared>>, %arg10: memref<!tpu.dma_semaphore, #tpu.memory_space<semaphore_mem>>, %arg11: memref<!tpu.dma_semaphore, #tpu.memory_space<semaphore_mem>>) attributes {dimension_semantics = [#tpu.dimension_semantics<core_parallel>, #tpu.dimension_semantics<subcore_parallel>], iteration_bounds = array<i64: 2, 16>, scalar_prefetch = 0 : i64, scratch_operands = 7 : i64, tpu.core_type = #tpu.core_type<sc_vector_subcore>, window_params = [{transform_indices = #map}, {transform_indices = #map1}, {transform_indices = #map2}]} {
    %mul3A = arith.constant 16 : i32
    %mul3A_0 = arith.muli %arg0, %mul3A : i32
    %add3A = arith.addi %mul3A_0, %arg1 : i32
    %broadcast_in_dim3A = arith.constant 0.000000e+00 : f32
    %broadcast_in_dim3A_1 = vector.broadcast %broadcast_in_dim3A : f32 to vector<16xf32>
    %run_scoped3A = arith.constant 0 : i32
    "tpu.region"() ({
      %run_scoped3A_204 = tpu.sem_alloc : memref<!tpu.dma_semaphore, #tpu.memory_space<semaphore_mem>>
      %dma_start3A_205 = arith.constant 0 : i32
      %dma_start3A_206 = arith.constant 0 : i32
      %dma_start3A_207 = tpu.memref_slice %arg2[%run_scoped3A, %add3A, %dma_start3A_205, %dma_start3A_206] : memref<2x32x80x128xi32, #tpu.memory_space<hbm>> -> memref<1x1x40x128xi32, #tpu.memory_space<hbm>>
      %dma_start3A_208 = tpu.memref_squeeze %dma_start3A_207 : memref<1x1x40x128xi32, #tpu.memory_space<hbm>> -> memref<40x128xi32, #tpu.memory_space<hbm>>
      %dma_start3A_209 = arith.constant 0 : i32
      %dma_start3A_210 = arith.constant 0 : i32
      %dma_start3A_211 = tpu.memref_slice %arg2[%run_scoped3A, %add3A, %dma_start3A_209, %dma_start3A_210] : memref<2x32x80x128xi32, #tpu.memory_space<hbm>> -> memref<1x1x40x128xi32, #tpu.memory_space<hbm>>
      %dma_start3A_212 = tpu.memref_squeeze %dma_start3A_211 : memref<1x1x40x128xi32, #tpu.memory_space<hbm>> -> memref<40x128xi32, #tpu.memory_space<hbm>>
      tpu.enqueue_dma source(%dma_start3A_212 : memref<40x128xi32, #tpu.memory_space<hbm>>) target(%arg5 : memref<40x128xi32, #tpu.memory_space<vmem>>) target_semaphore(%run_scoped3A_204 : memref<!tpu.dma_semaphore, #tpu.memory_space<semaphore_mem>>)
      %dma_wait3A_213 = arith.constant 0 : i32
      %dma_wait3A_214 = arith.constant 0 : i32
      %dma_wait3A_215 = tpu.memref_slice %arg2[%run_scoped3A, %add3A, %dma_wait3A_213, %dma_wait3A_214] : memref<2x32x80x128xi32, #tpu.memory_space<hbm>> -> memref<1x1x40x128xi32, #tpu.memory_space<hbm>>
      %dma_wait3A_216 = tpu.memref_squeeze %dma_wait3A_215 : memref<1x1x40x128xi32, #tpu.memory_space<hbm>> -> memref<40x128xi32, #tpu.memory_space<hbm>>
      %dma_wait3A_217 = arith.constant 0 : i32
      %dma_wait3A_218 = arith.constant 0 : i32
      %dma_wait3A_219 = tpu.memref_slice %arg2[%run_scoped3A, %add3A, %dma_wait3A_217, %dma_wait3A_218] : memref<2x32x80x128xi32, #tpu.memory_space<hbm>> -> memref<1x1x40x128xi32, #tpu.memory_space<hbm>>
      %dma_wait3A_220 = tpu.memref_squeeze %dma_wait3A_219 : memref<1x1x40x128xi32, #tpu.memory_space<hbm>> -> memref<40x128xi32, #tpu.memory_space<hbm>>
      tpu.wait_dma2 semaphore(%run_scoped3A_204 : memref<!tpu.dma_semaphore, #tpu.memory_space<semaphore_mem>>) src(%dma_wait3A_220 : memref<40x128xi32, #tpu.memory_space<hbm>>) dst(%arg5 : memref<40x128xi32, #tpu.memory_space<vmem>>)
      tpu.yield
    }) : () -> ()
    %run_scoped3A_2 = arith.constant 1 : i32
    "tpu.region"() ({
      %run_scoped3A_204 = tpu.sem_alloc : memref<!tpu.dma_semaphore, #tpu.memory_space<semaphore_mem>>
      %dma_start3A_205 = arith.constant 0 : i32
      %dma_start3A_206 = arith.constant 0 : i32
      %dma_start3A_207 = tpu.memref_slice %arg2[%run_scoped3A_2, %add3A, %dma_start3A_205, %dma_start3A_206] : memref<2x32x80x128xi32, #tpu.memory_space<hbm>> -> memref<1x1x40x128xi32, #tpu.memory_space<hbm>>
      %dma_start3A_208 = tpu.memref_squeeze %dma_start3A_207 : memref<1x1x40x128xi32, #tpu.memory_space<hbm>> -> memref<40x128xi32, #tpu.memory_space<hbm>>
      %dma_start3A_209 = arith.constant 0 : i32
      %dma_start3A_210 = arith.constant 0 : i32
      %dma_start3A_211 = tpu.memref_slice %arg2[%run_scoped3A_2, %add3A, %dma_start3A_209, %dma_start3A_210] : memref<2x32x80x128xi32, #tpu.memory_space<hbm>> -> memref<1x1x40x128xi32, #tpu.memory_space<hbm>>
      %dma_start3A_212 = tpu.memref_squeeze %dma_start3A_211 : memref<1x1x40x128xi32, #tpu.memory_space<hbm>> -> memref<40x128xi32, #tpu.memory_space<hbm>>
      tpu.enqueue_dma source(%dma_start3A_212 : memref<40x128xi32, #tpu.memory_space<hbm>>) target(%arg6 : memref<40x128xi32, #tpu.memory_space<vmem>>) target_semaphore(%run_scoped3A_204 : memref<!tpu.dma_semaphore, #tpu.memory_space<semaphore_mem>>)
      %dma_wait3A_213 = arith.constant 0 : i32
      %dma_wait3A_214 = arith.constant 0 : i32
      %dma_wait3A_215 = tpu.memref_slice %arg2[%run_scoped3A_2, %add3A, %dma_wait3A_213, %dma_wait3A_214] : memref<2x32x80x128xi32, #tpu.memory_space<hbm>> -> memref<1x1x40x128xi32, #tpu.memory_space<hbm>>
      %dma_wait3A_216 = tpu.memref_squeeze %dma_wait3A_215 : memref<1x1x40x128xi32, #tpu.memory_space<hbm>> -> memref<40x128xi32, #tpu.memory_space<hbm>>
      %dma_wait3A_217 = arith.constant 0 : i32
      %dma_wait3A_218 = arith.constant 0 : i32
      %dma_wait3A_219 = tpu.memref_slice %arg2[%run_scoped3A_2, %add3A, %dma_wait3A_217, %dma_wait3A_218] : memref<2x32x80x128xi32, #tpu.memory_space<hbm>> -> memref<1x1x40x128xi32, #tpu.memory_space<hbm>>
      %dma_wait3A_220 = tpu.memref_squeeze %dma_wait3A_219 : memref<1x1x40x128xi32, #tpu.memory_space<hbm>> -> memref<40x128xi32, #tpu.memory_space<hbm>>
      tpu.wait_dma2 semaphore(%run_scoped3A_204 : memref<!tpu.dma_semaphore, #tpu.memory_space<semaphore_mem>>) src(%dma_wait3A_220 : memref<40x128xi32, #tpu.memory_space<hbm>>) dst(%arg6 : memref<40x128xi32, #tpu.memory_space<vmem>>)
      tpu.yield
    }) : () -> ()
    %dma_start3A = arith.constant 0 : i32
    %dma_start3A_3 = arith.constant 0 : i32
    %dma_start3A_4 = arith.constant 0 : i32
    %dma_start3A_5 = tpu.memref_slice %arg7[%dma_start3A_3, %dma_start3A_4] : memref<128x128xf32, #tpu.memory_space<vmem>> -> memref<64x128xf32, #tpu.memory_space<vmem>>
    %dma_start3A_6 = arith.constant 0 : i32
    %dma_start3A_7 = tpu.memref_slice %arg5[%dma_start3A, %dma_start3A_6] : memref<40x128xi32, #tpu.memory_space<vmem>> -> memref<1x64xi32, #tpu.memory_space<vmem>>
    %dma_start3A_8 = tpu.memref_squeeze %dma_start3A_7 : memref<1x64xi32, #tpu.memory_space<vmem>> -> memref<64xi32, #tpu.memory_space<vmem>>
    %dma_start3A_9 = arith.constant 0 : i32
    %dma_start3A_10 = arith.constant 0 : i32
    %dma_start3A_11 = tpu.memref_slice %arg3[%dma_start3A_9, %dma_start3A_10] : memref<10000x128xf32, #tpu.memory_space<hbm>> -> memref<10000x128xf32, #tpu.memory_space<hbm>>
    tpu.enqueue_indirect_dma source(%dma_start3A_11 : memref<10000x128xf32, #tpu.memory_space<hbm>>) target(%dma_start3A_5 : memref<64x128xf32, #tpu.memory_space<vmem>>) offsets(%dma_start3A_8 : memref<64xi32, #tpu.memory_space<vmem>>) semaphore(%arg10 : memref<!tpu.dma_semaphore, #tpu.memory_space<semaphore_mem>>)
    %dma_start3A_12 = arith.constant 0 : i32
    %dma_start3A_13 = arith.constant 64 : i32
    %dma_start3A_14 = arith.constant 0 : i32
    %dma_start3A_15 = tpu.memref_slice %arg7[%dma_start3A_13, %dma_start3A_14] : memref<128x128xf32, #tpu.memory_space<vmem>> -> memref<64x128xf32, #tpu.memory_space<vmem>>
    %dma_start3A_16 = arith.constant 64 : i32
    %dma_start3A_17 = tpu.memref_slice %arg5[%dma_start3A_12, %dma_start3A_16] : memref<40x128xi32, #tpu.memory_space<vmem>> -> memref<1x64xi32, #tpu.memory_space<vmem>>
    %dma_start3A_18 = tpu.memref_squeeze %dma_start3A_17 : memref<1x64xi32, #tpu.memory_space<vmem>> -> memref<64xi32, #tpu.memory_space<vmem>>
    %dma_start3A_19 = arith.constant 0 : i32
    %dma_start3A_20 = arith.constant 0 : i32
    %dma_start3A_21 = tpu.memref_slice %arg3[%dma_start3A_19, %dma_start3A_20] : memref<10000x128xf32, #tpu.memory_space<hbm>> -> memref<10000x128xf32, #tpu.memory_space<hbm>>
    tpu.enqueue_indirect_dma source(%dma_start3A_21 : memref<10000x128xf32, #tpu.memory_space<hbm>>) target(%dma_start3A_15 : memref<64x128xf32, #tpu.memory_space<vmem>>) offsets(%dma_start3A_18 : memref<64xi32, #tpu.memory_space<vmem>>) semaphore(%arg10 : memref<!tpu.dma_semaphore, #tpu.memory_space<semaphore_mem>>)
    %scan3A = arith.constant 0 : i32
    %scan3A_22 = arith.constant 0 : i32
    %scan3A_23 = arith.constant 120 : i32
    %scan3A_24 = arith.addi %scan3A_22, %scan3A_23 : i32
    %scan3A_25 = arith.constant 1 : i32
    scf.for %scan3A_204 = %scan3A_22 to %scan3A_24 step %scan3A_25  : i32 {
      %swap3A = arith.index_cast %scan3A_204 : i32 to index
      %swap3A_205 = arith.constant 0 : index
      %swap3A_206 = tpu.vector_load %arg8[%swap3A, %swap3A_205] {strides = array<i32>} : memref<128x128xf32, #tpu.memory_space<vmem>>, vector<1x16xf32>,
      %swap3A_207 = vector.shape_cast %swap3A_206 : vector<1x16xf32> to vector<16xf32>
      %swap3A_208 = vector.shape_cast %broadcast_in_dim3A_1 : vector<16xf32> to vector<1x16xf32>
      tpu.vector_store %arg8[%swap3A, %swap3A_205], %swap3A_208 {strides = array<i32>} : memref<128x128xf32, #tpu.memory_space<vmem>>, vector<1x16xf32>,
      %swap3A_209 = arith.index_cast %scan3A_204 : i32 to index
      %swap3A_210 = arith.constant 16 : index
      %swap3A_211 = tpu.vector_load %arg8[%swap3A_209, %swap3A_210] {strides = array<i32>} : memref<128x128xf32, #tpu.memory_space<vmem>>, vector<1x16xf32>,
      %swap3A_212 = vector.shape_cast %swap3A_211 : vector<1x16xf32> to vector<16xf32>
      %swap3A_213 = vector.shape_cast %broadcast_in_dim3A_1 : vector<16xf32> to vector<1x16xf32>
      tpu.vector_store %arg8[%swap3A_209, %swap3A_210], %swap3A_213 {strides = array<i32>} : memref<128x128xf32, #tpu.memory_space<vmem>>, vector<1x16xf32>,
      %swap3A_214 = arith.index_cast %scan3A_204 : i32 to index
      %swap3A_215 = arith.constant 32 : index
      %swap3A_216 = tpu.vector_load %arg8[%swap3A_214, %swap3A_215] {strides = array<i32>} : memref<128x128xf32, #tpu.memory_space<vmem>>, vector<1x16xf32>,
      %swap3A_217 = vector.shape_cast %swap3A_216 : vector<1x16xf32> to vector<16xf32>
      %swap3A_218 = vector.shape_cast %broadcast_in_dim3A_1 : vector<16xf32> to vector<1x16xf32>
      tpu.vector_store %arg8[%swap3A_214, %swap3A_215], %swap3A_218 {strides = array<i32>} : memref<128x128xf32, #tpu.memory_space<vmem>>, vector<1x16xf32>,
      %swap3A_219 = arith.index_cast %scan3A_204 : i32 to index
      %swap3A_220 = arith.constant 48 : index
      %swap3A_221 = tpu.vector_load %arg8[%swap3A_219, %swap3A_220] {strides = array<i32>} : memref<128x128xf32, #tpu.memory_space<vmem>>, vector<1x16xf32>,
      %swap3A_222 = vector.shape_cast %swap3A_221 : vector<1x16xf32> to vector<16xf32>
      %swap3A_223 = vector.shape_cast %broadcast_in_dim3A_1 : vector<16xf32> to vector<1x16xf32>
      tpu.vector_store %arg8[%swap3A_219, %swap3A_220], %swap3A_223 {strides = array<i32>} : memref<128x128xf32, #tpu.memory_space<vmem>>, vector<1x16xf32>,
      %swap3A_224 = arith.index_cast %scan3A_204 : i32 to index
      %swap3A_225 = arith.constant 64 : index
      %swap3A_226 = tpu.vector_load %arg8[%swap3A_224, %swap3A_225] {strides = array<i32>} : memref<128x128xf32, #tpu.memory_space<vmem>>, vector<1x16xf32>,
      %swap3A_227 = vector.shape_cast %swap3A_226 : vector<1x16xf32> to vector<16xf32>
      %swap3A_228 = vector.shape_cast %broadcast_in_dim3A_1 : vector<16xf32> to vector<1x16xf32>
      tpu.vector_store %arg8[%swap3A_224, %swap3A_225], %swap3A_228 {strides = array<i32>} : memref<128x128xf32, #tpu.memory_space<vmem>>, vector<1x16xf32>,
      %swap3A_229 = arith.index_cast %scan3A_204 : i32 to index
      %swap3A_230 = arith.constant 80 : index
      %swap3A_231 = tpu.vector_load %arg8[%swap3A_229, %swap3A_230] {strides = array<i32>} : memref<128x128xf32, #tpu.memory_space<vmem>>, vector<1x16xf32>,
      %swap3A_232 = vector.shape_cast %swap3A_231 : vector<1x16xf32> to vector<16xf32>
      %swap3A_233 = vector.shape_cast %broadcast_in_dim3A_1 : vector<16xf32> to vector<1x16xf32>
      tpu.vector_store %arg8[%swap3A_229, %swap3A_230], %swap3A_233 {strides = array<i32>} : memref<128x128xf32, #tpu.memory_space<vmem>>, vector<1x16xf32>,
      %swap3A_234 = arith.index_cast %scan3A_204 : i32 to index
      %swap3A_235 = arith.constant 96 : index
      %swap3A_236 = tpu.vector_load %arg8[%swap3A_234, %swap3A_235] {strides = array<i32>} : memref<128x128xf32, #tpu.memory_space<vmem>>, vector<1x16xf32>,
      %swap3A_237 = vector.shape_cast %swap3A_236 : vector<1x16xf32> to vector<16xf32>
      %swap3A_238 = vector.shape_cast %broadcast_in_dim3A_1 : vector<16xf32> to vector<1x16xf32>
      tpu.vector_store %arg8[%swap3A_234, %swap3A_235], %swap3A_238 {strides = array<i32>} : memref<128x128xf32, #tpu.memory_space<vmem>>, vector<1x16xf32>,
      %swap3A_239 = arith.index_cast %scan3A_204 : i32 to index
      %swap3A_240 = arith.constant 112 : index
      %swap3A_241 = tpu.vector_load %arg8[%swap3A_239, %swap3A_240] {strides = array<i32>} : memref<128x128xf32, #tpu.memory_space<vmem>>, vector<1x16xf32>,
      %swap3A_242 = vector.shape_cast %swap3A_241 : vector<1x16xf32> to vector<16xf32>
      %swap3A_243 = vector.shape_cast %broadcast_in_dim3A_1 : vector<16xf32> to vector<1x16xf32>
      tpu.vector_store %arg8[%swap3A_239, %swap3A_240], %swap3A_243 {strides = array<i32>} : memref<128x128xf32, #tpu.memory_space<vmem>>, vector<1x16xf32>,
    }
    %scan3A_26 = arith.constant 120 : i32
    %mul3A_27 = arith.constant 632 : i32
    %mul3A_28 = arith.muli %arg1, %mul3A_27 : i32
    %add3A_29 = arith.constant 0 : i32
    %add3A_30 = arith.addi %mul3A_28, %add3A_29 : i32
    "tpu.region"() ({
      %run_scoped3A_204 = tpu.sem_alloc : memref<!tpu.dma_semaphore, #tpu.memory_space<semaphore_mem>>
      %dma_start3A_205 = arith.constant 0 : i32
      %dma_start3A_206 = arith.constant 0 : i32
      %dma_start3A_207 = tpu.memref_slice %arg8[%dma_start3A_205, %dma_start3A_206] : memref<128x128xf32, #tpu.memory_space<vmem>> -> memref<120x128xf32, #tpu.memory_space<vmem>>
      %dma_start3A_208 = arith.constant 0 : i32
      %dma_start3A_209 = tpu.memref_slice %arg9[%add3A_30, %dma_start3A_208] : memref<10112x128xf32, #tpu.memory_space<vmem_shared>> -> memref<120x128xf32, #tpu.memory_space<vmem_shared>>
      %dma_start3A_210 = arith.constant 0 : i32
      %dma_start3A_211 = tpu.memref_slice %arg9[%add3A_30, %dma_start3A_210] : memref<10112x128xf32, #tpu.memory_space<vmem_shared>> -> memref<120x128xf32, #tpu.memory_space<vmem_shared>>
      %dma_start3A_212 = arith.constant 0 : i32
      %dma_start3A_213 = arith.constant 0 : i32
      %dma_start3A_214 = tpu.memref_slice %arg8[%dma_start3A_212, %dma_start3A_213] : memref<128x128xf32, #tpu.memory_space<vmem>> -> memref<120x128xf32, #tpu.memory_space<vmem>>
      tpu.enqueue_dma source(%dma_start3A_214 : memref<120x128xf32, #tpu.memory_space<vmem>>) target(%dma_start3A_211 : memref<120x128xf32, #tpu.memory_space<vmem_shared>>) target_semaphore(%run_scoped3A_204 : memref<!tpu.dma_semaphore, #tpu.memory_space<semaphore_mem>>)
      %dma_wait3A_215 = arith.constant 0 : i32
      %dma_wait3A_216 = arith.constant 0 : i32
      %dma_wait3A_217 = tpu.memref_slice %arg8[%dma_wait3A_215, %dma_wait3A_216] : memref<128x128xf32, #tpu.memory_space<vmem>> -> memref<120x128xf32, #tpu.memory_space<vmem>>
      %dma_wait3A_218 = arith.constant 0 : i32
      %dma_wait3A_219 = tpu.memref_slice %arg9[%add3A_30, %dma_wait3A_218] : memref<10112x128xf32, #tpu.memory_space<vmem_shared>> -> memref<120x128xf32, #tpu.memory_space<vmem_shared>>
      %dma_wait3A_220 = arith.constant 0 : i32
      %dma_wait3A_221 = tpu.memref_slice %arg9[%add3A_30, %dma_wait3A_220] : memref<10112x128xf32, #tpu.memory_space<vmem_shared>> -> memref<120x128xf32, #tpu.memory_space<vmem_shared>>
      %dma_wait3A_222 = arith.constant 0 : i32
      %dma_wait3A_223 = arith.constant 0 : i32
      %dma_wait3A_224 = tpu.memref_slice %arg8[%dma_wait3A_222, %dma_wait3A_223] : memref<128x128xf32, #tpu.memory_space<vmem>> -> memref<120x128xf32, #tpu.memory_space<vmem>>
      tpu.wait_dma2 semaphore(%run_scoped3A_204 : memref<!tpu.dma_semaphore, #tpu.memory_space<semaphore_mem>>) src(%dma_wait3A_224 : memref<120x128xf32, #tpu.memory_space<vmem>>) dst(%dma_wait3A_221 : memref<120x128xf32, #tpu.memory_space<vmem_shared>>)
      tpu.yield
    }) : () -> ()
    %add3A_31 = arith.constant 120 : i32
    %add3A_32 = arith.addi %mul3A_28, %add3A_31 : i32
    "tpu.region"() ({
      %run_scoped3A_204 = tpu.sem_alloc : memref<!tpu.dma_semaphore, #tpu.memory_space<semaphore_mem>>
      %dma_start3A_205 = arith.constant 0 : i32
      %dma_start3A_206 = arith.constant 0 : i32
      %dma_start3A_207 = tpu.memref_slice %arg8[%dma_start3A_205, %dma_start3A_206] : memref<128x128xf32, #tpu.memory_space<vmem>> -> memref<120x128xf32, #tpu.memory_space<vmem>>
      %dma_start3A_208 = arith.constant 0 : i32
      %dma_start3A_209 = tpu.memref_slice %arg9[%add3A_32, %dma_start3A_208] : memref<10112x128xf32, #tpu.memory_space<vmem_shared>> -> memref<120x128xf32, #tpu.memory_space<vmem_shared>>
      %dma_start3A_210 = arith.constant 0 : i32
      %dma_start3A_211 = tpu.memref_slice %arg9[%add3A_32, %dma_start3A_210] : memref<10112x128xf32, #tpu.memory_space<vmem_shared>> -> memref<120x128xf32, #tpu.memory_space<vmem_shared>>
      %dma_start3A_212 = arith.constant 0 : i32
      %dma_start3A_213 = arith.constant 0 : i32
      %dma_start3A_214 = tpu.memref_slice %arg8[%dma_start3A_212, %dma_start3A_213] : memref<128x128xf32, #tpu.memory_space<vmem>> -> memref<120x128xf32, #tpu.memory_space<vmem>>
      tpu.enqueue_dma source(%dma_start3A_214 : memref<120x128xf32, #tpu.memory_space<vmem>>) target(%dma_start3A_211 : memref<120x128xf32, #tpu.memory_space<vmem_shared>>) target_semaphore(%run_scoped3A_204 : memref<!tpu.dma_semaphore, #tpu.memory_space<semaphore_mem>>)
      %dma_wait3A_215 = arith.constant 0 : i32
      %dma_wait3A_216 = arith.constant 0 : i32
      %dma_wait3A_217 = tpu.memref_slice %arg8[%dma_wait3A_215, %dma_wait3A_216] : memref<128x128xf32, #tpu.memory_space<vmem>> -> memref<120x128xf32, #tpu.memory_space<vmem>>
      %dma_wait3A_218 = arith.constant 0 : i32
      %dma_wait3A_219 = tpu.memref_slice %arg9[%add3A_32, %dma_wait3A_218] : memref<10112x128xf32, #tpu.memory_space<vmem_shared>> -> memref<120x128xf32, #tpu.memory_space<vmem_shared>>
      %dma_wait3A_220 = arith.constant 0 : i32
      %dma_wait3A_221 = tpu.memref_slice %arg9[%add3A_32, %dma_wait3A_220] : memref<10112x128xf32, #tpu.memory_space<vmem_shared>> -> memref<120x128xf32, #tpu.memory_space<vmem_shared>>
      %dma_wait3A_222 = arith.constant 0 : i32
      %dma_wait3A_223 = arith.constant 0 : i32
      %dma_wait3A_224 = tpu.memref_slice %arg8[%dma_wait3A_222, %dma_wait3A_223] : memref<128x128xf32, #tpu.memory_space<vmem>> -> memref<120x128xf32, #tpu.memory_space<vmem>>
      tpu.wait_dma2 semaphore(%run_scoped3A_204 : memref<!tpu.dma_semaphore, #tpu.memory_space<semaphore_mem>>) src(%dma_wait3A_224 : memref<120x128xf32, #tpu.memory_space<vmem>>) dst(%dma_wait3A_221 : memref<120x128xf32, #tpu.memory_space<vmem_shared>>)
      tpu.yield
    }) : () -> ()
    %add3A_33 = arith.constant 240 : i32
    %add3A_34 = arith.addi %mul3A_28, %add3A_33 : i32
    "tpu.region"() ({
      %run_scoped3A_204 = tpu.sem_alloc : memref<!tpu.dma_semaphore, #tpu.memory_space<semaphore_mem>>
      %dma_start3A_205 = arith.constant 0 : i32
      %dma_start3A_206 = arith.constant 0 : i32
      %dma_start3A_207 = tpu.memref_slice %arg8[%dma_start3A_205, %dma_start3A_206] : memref<128x128xf32, #tpu.memory_space<vmem>> -> memref<120x128xf32, #tpu.memory_space<vmem>>
      %dma_start3A_208 = arith.constant 0 : i32
      %dma_start3A_209 = tpu.memref_slice %arg9[%add3A_34, %dma_start3A_208] : memref<10112x128xf32, #tpu.memory_space<vmem_shared>> -> memref<120x128xf32, #tpu.memory_space<vmem_shared>>
      %dma_start3A_210 = arith.constant 0 : i32
      %dma_start3A_211 = tpu.memref_slice %arg9[%add3A_34, %dma_start3A_210] : memref<10112x128xf32, #tpu.memory_space<vmem_shared>> -> memref<120x128xf32, #tpu.memory_space<vmem_shared>>
      %dma_start3A_212 = arith.constant 0 : i32
      %dma_start3A_213 = arith.constant 0 : i32
      %dma_start3A_214 = tpu.memref_slice %arg8[%dma_start3A_212, %dma_start3A_213] : memref<128x128xf32, #tpu.memory_space<vmem>> -> memref<120x128xf32, #tpu.memory_space<vmem>>
      tpu.enqueue_dma source(%dma_start3A_214 : memref<120x128xf32, #tpu.memory_space<vmem>>) target(%dma_start3A_211 : memref<120x128xf32, #tpu.memory_space<vmem_shared>>) target_semaphore(%run_scoped3A_204 : memref<!tpu.dma_semaphore, #tpu.memory_space<semaphore_mem>>)
      %dma_wait3A_215 = arith.constant 0 : i32
      %dma_wait3A_216 = arith.constant 0 : i32
      %dma_wait3A_217 = tpu.memref_slice %arg8[%dma_wait3A_215, %dma_wait3A_216] : memref<128x128xf32, #tpu.memory_space<vmem>> -> memref<120x128xf32, #tpu.memory_space<vmem>>
      %dma_wait3A_218 = arith.constant 0 : i32
      %dma_wait3A_219 = tpu.memref_slice %arg9[%add3A_34, %dma_wait3A_218] : memref<10112x128xf32, #tpu.memory_space<vmem_shared>> -> memref<120x128xf32, #tpu.memory_space<vmem_shared>>
      %dma_wait3A_220 = arith.constant 0 : i32
      %dma_wait3A_221 = tpu.memref_slice %arg9[%add3A_34, %dma_wait3A_220] : memref<10112x128xf32, #tpu.memory_space<vmem_shared>> -> memref<120x128xf32, #tpu.memory_space<vmem_shared>>
      %dma_wait3A_222 = arith.constant 0 : i32
      %dma_wait3A_223 = arith.constant 0 : i32
      %dma_wait3A_224 = tpu.memref_slice %arg8[%dma_wait3A_222, %dma_wait3A_223] : memref<128x128xf32, #tpu.memory_space<vmem>> -> memref<120x128xf32, #tpu.memory_space<vmem>>
      tpu.wait_dma2 semaphore(%run_scoped3A_204 : memref<!tpu.dma_semaphore, #tpu.memory_space<semaphore_mem>>) src(%dma_wait3A_224 : memref<120x128xf32, #tpu.memory_space<vmem>>) dst(%dma_wait3A_221 : memref<120x128xf32, #tpu.memory_space<vmem_shared>>)
      tpu.yield
    }) : () -> ()
    %add3A_35 = arith.constant 360 : i32
    %add3A_36 = arith.addi %mul3A_28, %add3A_35 : i32
    "tpu.region"() ({
      %run_scoped3A_204 = tpu.sem_alloc : memref<!tpu.dma_semaphore, #tpu.memory_space<semaphore_mem>>
      %dma_start3A_205 = arith.constant 0 : i32
      %dma_start3A_206 = arith.constant 0 : i32
      %dma_start3A_207 = tpu.memref_slice %arg8[%dma_start3A_205, %dma_start3A_206] : memref<128x128xf32, #tpu.memory_space<vmem>> -> memref<120x128xf32, #tpu.memory_space<vmem>>
      %dma_start3A_208 = arith.constant 0 : i32
      %dma_start3A_209 = tpu.memref_slice %arg9[%add3A_36, %dma_start3A_208] : memref<10112x128xf32, #tpu.memory_space<vmem_shared>> -> memref<120x128xf32, #tpu.memory_space<vmem_shared>>
      %dma_start3A_210 = arith.constant 0 : i32
      %dma_start3A_211 = tpu.memref_slice %arg9[%add3A_36, %dma_start3A_210] : memref<10112x128xf32, #tpu.memory_space<vmem_shared>> -> memref<120x128xf32, #tpu.memory_space<vmem_shared>>
      %dma_start3A_212 = arith.constant 0 : i32
      %dma_start3A_213 = arith.constant 0 : i32
      %dma_start3A_214 = tpu.memref_slice %arg8[%dma_start3A_212, %dma_start3A_213] : memref<128x128xf32, #tpu.memory_space<vmem>> -> memref<120x128xf32, #tpu.memory_space<vmem>>
      tpu.enqueue_dma source(%dma_start3A_214 : memref<120x128xf32, #tpu.memory_space<vmem>>) target(%dma_start3A_211 : memref<120x128xf32, #tpu.memory_space<vmem_shared>>) target_semaphore(%run_scoped3A_204 : memref<!tpu.dma_semaphore, #tpu.memory_space<semaphore_mem>>)
      %dma_wait3A_215 = arith.constant 0 : i32
      %dma_wait3A_216 = arith.constant 0 : i32
      %dma_wait3A_217 = tpu.memref_slice %arg8[%dma_wait3A_215, %dma_wait3A_216] : memref<128x128xf32, #tpu.memory_space<vmem>> -> memref<120x128xf32, #tpu.memory_space<vmem>>
      %dma_wait3A_218 = arith.constant 0 : i32
      %dma_wait3A_219 = tpu.memref_slice %arg9[%add3A_36, %dma_wait3A_218] : memref<10112x128xf32, #tpu.memory_space<vmem_shared>> -> memref<120x128xf32, #tpu.memory_space<vmem_shared>>
      %dma_wait3A_220 = arith.constant 0 : i32
      %dma_wait3A_221 = tpu.memref_slice %arg9[%add3A_36, %dma_wait3A_220] : memref<10112x128xf32, #tpu.memory_space<vmem_shared>> -> memref<120x128xf32, #tpu.memory_space<vmem_shared>>
      %dma_wait3A_222 = arith.constant 0 : i32
      %dma_wait3A_223 = arith.constant 0 : i32
      %dma_wait3A_224 = tpu.memref_slice %arg8[%dma_wait3A_222, %dma_wait3A_223] : memref<128x128xf32, #tpu.memory_space<vmem>> -> memref<120x128xf32, #tpu.memory_space<vmem>>
      tpu.wait_dma2 semaphore(%run_scoped3A_204 : memref<!tpu.dma_semaphore, #tpu.memory_space<semaphore_mem>>) src(%dma_wait3A_224 : memref<120x128xf32, #tpu.memory_space<vmem>>) dst(%dma_wait3A_221 : memref<120x128xf32, #tpu.memory_space<vmem_shared>>)
      tpu.yield
    }) : () -> ()
    %add3A_37 = arith.constant 480 : i32
    %add3A_38 = arith.addi %mul3A_28, %add3A_37 : i32
    "tpu.region"() ({
      %run_scoped3A_204 = tpu.sem_alloc : memref<!tpu.dma_semaphore, #tpu.memory_space<semaphore_mem>>
      %dma_start3A_205 = arith.constant 0 : i32
      %dma_start3A_206 = arith.constant 0 : i32
      %dma_start3A_207 = tpu.memref_slice %arg8[%dma_start3A_205, %dma_start3A_206] : memref<128x128xf32, #tpu.memory_space<vmem>> -> memref<120x128xf32, #tpu.memory_space<vmem>>
      %dma_start3A_208 = arith.constant 0 : i32
      %dma_start3A_209 = tpu.memref_slice %arg9[%add3A_38, %dma_start3A_208] : memref<10112x128xf32, #tpu.memory_space<vmem_shared>> -> memref<120x128xf32, #tpu.memory_space<vmem_shared>>
      %dma_start3A_210 = arith.constant 0 : i32
      %dma_start3A_211 = tpu.memref_slice %arg9[%add3A_38, %dma_start3A_210] : memref<10112x128xf32, #tpu.memory_space<vmem_shared>> -> memref<120x128xf32, #tpu.memory_space<vmem_shared>>
      %dma_start3A_212 = arith.constant 0 : i32
      %dma_start3A_213 = arith.constant 0 : i32
      %dma_start3A_214 = tpu.memref_slice %arg8[%dma_start3A_212, %dma_start3A_213] : memref<128x128xf32, #tpu.memory_space<vmem>> -> memref<120x128xf32, #tpu.memory_space<vmem>>
      tpu.enqueue_dma source(%dma_start3A_214 : memref<120x128xf32, #tpu.memory_space<vmem>>) target(%dma_start3A_211 : memref<120x128xf32, #tpu.memory_space<vmem_shared>>) target_semaphore(%run_scoped3A_204 : memref<!tpu.dma_semaphore, #tpu.memory_space<semaphore_mem>>)
      %dma_wait3A_215 = arith.constant 0 : i32
      %dma_wait3A_216 = arith.constant 0 : i32
      %dma_wait3A_217 = tpu.memref_slice %arg8[%dma_wait3A_215, %dma_wait3A_216] : memref<128x128xf32, #tpu.memory_space<vmem>> -> memref<120x128xf32, #tpu.memory_space<vmem>>
      %dma_wait3A_218 = arith.constant 0 : i32
      %dma_wait3A_219 = tpu.memref_slice %arg9[%add3A_38, %dma_wait3A_218] : memref<10112x128xf32, #tpu.memory_space<vmem_shared>> -> memref<120x128xf32, #tpu.memory_space<vmem_shared>>
      %dma_wait3A_220 = arith.constant 0 : i32
      %dma_wait3A_221 = tpu.memref_slice %arg9[%add3A_38, %dma_wait3A_220] : memref<10112x128xf32, #tpu.memory_space<vmem_shared>> -> memref<120x128xf32, #tpu.memory_space<vmem_shared>>
      %dma_wait3A_222 = arith.constant 0 : i32
      %dma_wait3A_223 = arith.constant 0 : i32
      %dma_wait3A_224 = tpu.memref_slice %arg8[%dma_wait3A_222, %dma_wait3A_223] : memref<128x128xf32, #tpu.memory_space<vmem>> -> memref<120x128xf32, #tpu.memory_space<vmem>>
      tpu.wait_dma2 semaphore(%run_scoped3A_204 : memref<!tpu.dma_semaphore, #tpu.memory_space<semaphore_mem>>) src(%dma_wait3A_224 : memref<120x128xf32, #tpu.memory_space<vmem>>) dst(%dma_wait3A_221 : memref<120x128xf32, #tpu.memory_space<vmem_shared>>)
      tpu.yield
    }) : () -> ()
    %add3A_39 = arith.constant 632 : i32
    %add3A_40 = arith.addi %mul3A_28, %add3A_39 : i32
    %sub3A = arith.constant 32 : i32
    %sub3A_41 = arith.subi %add3A_40, %sub3A : i32
    "tpu.region"() ({
      %run_scoped3A_204 = tpu.sem_alloc : memref<!tpu.dma_semaphore, #tpu.memory_space<semaphore_mem>>
      %dma_start3A_205 = arith.constant 0 : i32
      %dma_start3A_206 = arith.constant 0 : i32
      %dma_start3A_207 = tpu.memref_slice %arg8[%dma_start3A_205, %dma_start3A_206] : memref<128x128xf32, #tpu.memory_space<vmem>> -> memref<32x128xf32, #tpu.memory_space<vmem>>
      %dma_start3A_208 = arith.constant 0 : i32
      %dma_start3A_209 = tpu.memref_slice %arg9[%sub3A_41, %dma_start3A_208] : memref<10112x128xf32, #tpu.memory_space<vmem_shared>> -> memref<32x128xf32, #tpu.memory_space<vmem_shared>>
      %dma_start3A_210 = arith.constant 0 : i32
      %dma_start3A_211 = tpu.memref_slice %arg9[%sub3A_41, %dma_start3A_210] : memref<10112x128xf32, #tpu.memory_space<vmem_shared>> -> memref<32x128xf32, #tpu.memory_space<vmem_shared>>
      %dma_start3A_212 = arith.constant 0 : i32
      %dma_start3A_213 = arith.constant 0 : i32
      %dma_start3A_214 = tpu.memref_slice %arg8[%dma_start3A_212, %dma_start3A_213] : memref<128x128xf32, #tpu.memory_space<vmem>> -> memref<32x128xf32, #tpu.memory_space<vmem>>
      tpu.enqueue_dma source(%dma_start3A_214 : memref<32x128xf32, #tpu.memory_space<vmem>>) target(%dma_start3A_211 : memref<32x128xf32, #tpu.memory_space<vmem_shared>>) target_semaphore(%run_scoped3A_204 : memref<!tpu.dma_semaphore, #tpu.memory_space<semaphore_mem>>)
      %dma_wait3A_215 = arith.constant 0 : i32
      %dma_wait3A_216 = arith.constant 0 : i32
      %dma_wait3A_217 = tpu.memref_slice %arg8[%dma_wait3A_215, %dma_wait3A_216] : memref<128x128xf32, #tpu.memory_space<vmem>> -> memref<32x128xf32, #tpu.memory_space<vmem>>
      %dma_wait3A_218 = arith.constant 0 : i32
      %dma_wait3A_219 = tpu.memref_slice %arg9[%sub3A_41, %dma_wait3A_218] : memref<10112x128xf32, #tpu.memory_space<vmem_shared>> -> memref<32x128xf32, #tpu.memory_space<vmem_shared>>
      %dma_wait3A_220 = arith.constant 0 : i32
      %dma_wait3A_221 = tpu.memref_slice %arg9[%sub3A_41, %dma_wait3A_220] : memref<10112x128xf32, #tpu.memory_space<vmem_shared>> -> memref<32x128xf32, #tpu.memory_space<vmem_shared>>
      %dma_wait3A_222 = arith.constant 0 : i32
      %dma_wait3A_223 = arith.constant 0 : i32
      %dma_wait3A_224 = tpu.memref_slice %arg8[%dma_wait3A_222, %dma_wait3A_223] : memref<128x128xf32, #tpu.memory_space<vmem>> -> memref<32x128xf32, #tpu.memory_space<vmem>>
      tpu.wait_dma2 semaphore(%run_scoped3A_204 : memref<!tpu.dma_semaphore, #tpu.memory_space<semaphore_mem>>) src(%dma_wait3A_224 : memref<32x128xf32, #tpu.memory_space<vmem>>) dst(%dma_wait3A_221 : memref<32x128xf32, #tpu.memory_space<vmem_shared>>)
      tpu.yield
    }) : () -> ()
    %barrier3A = arith.constant 0 : index
    tpu.barrier barrier_id(%barrier3A)
    %dma_start3A_42 = arith.constant 1 : i32
    %dma_start3A_43 = arith.constant 0 : i32
    %dma_start3A_44 = arith.constant 0 : i32
    %dma_start3A_45 = tpu.memref_slice %arg8[%dma_start3A_43, %dma_start3A_44] : memref<128x128xf32, #tpu.memory_space<vmem>> -> memref<64x128xf32, #tpu.memory_space<vmem>>
    %dma_start3A_46 = arith.constant 0 : i32
    %dma_start3A_47 = tpu.memref_slice %arg5[%dma_start3A_42, %dma_start3A_46] : memref<40x128xi32, #tpu.memory_space<vmem>> -> memref<1x64xi32, #tpu.memory_space<vmem>>
    %dma_start3A_48 = tpu.memref_squeeze %dma_start3A_47 : memref<1x64xi32, #tpu.memory_space<vmem>> -> memref<64xi32, #tpu.memory_space<vmem>>
    %dma_start3A_49 = arith.constant 0 : i32
    %dma_start3A_50 = arith.constant 0 : i32
    %dma_start3A_51 = tpu.memref_slice %arg3[%dma_start3A_49, %dma_start3A_50] : memref<10000x128xf32, #tpu.memory_space<hbm>> -> memref<10000x128xf32, #tpu.memory_space<hbm>>
    tpu.enqueue_indirect_dma source(%dma_start3A_51 : memref<10000x128xf32, #tpu.memory_space<hbm>>) target(%dma_start3A_45 : memref<64x128xf32, #tpu.memory_space<vmem>>) offsets(%dma_start3A_48 : memref<64xi32, #tpu.memory_space<vmem>>) semaphore(%arg11 : memref<!tpu.dma_semaphore, #tpu.memory_space<semaphore_mem>>)
    %dma_start3A_52 = arith.constant 1 : i32
    %dma_start3A_53 = arith.constant 64 : i32
    %dma_start3A_54 = arith.constant 0 : i32
    %dma_start3A_55 = tpu.memref_slice %arg8[%dma_start3A_53, %dma_start3A_54] : memref<128x128xf32, #tpu.memory_space<vmem>> -> memref<64x128xf32, #tpu.memory_space<vmem>>
    %dma_start3A_56 = arith.constant 64 : i32
    %dma_start3A_57 = tpu.memref_slice %arg5[%dma_start3A_52, %dma_start3A_56] : memref<40x128xi32, #tpu.memory_space<vmem>> -> memref<1x64xi32, #tpu.memory_space<vmem>>
    %dma_start3A_58 = tpu.memref_squeeze %dma_start3A_57 : memref<1x64xi32, #tpu.memory_space<vmem>> -> memref<64xi32, #tpu.memory_space<vmem>>
    %dma_start3A_59 = arith.constant 0 : i32
    %dma_start3A_60 = arith.constant 0 : i32
    %dma_start3A_61 = tpu.memref_slice %arg3[%dma_start3A_59, %dma_start3A_60] : memref<10000x128xf32, #tpu.memory_space<hbm>> -> memref<10000x128xf32, #tpu.memory_space<hbm>>
    tpu.enqueue_indirect_dma source(%dma_start3A_61 : memref<10000x128xf32, #tpu.memory_space<hbm>>) target(%dma_start3A_55 : memref<64x128xf32, #tpu.memory_space<vmem>>) offsets(%dma_start3A_58 : memref<64xi32, #tpu.memory_space<vmem>>) semaphore(%arg11 : memref<!tpu.dma_semaphore, #tpu.memory_space<semaphore_mem>>)
    %scan3A_62 = arith.constant 0 : i32
    %scan3A_63 = arith.constant 0 : i32
    %scan3A_64 = arith.constant 19 : i32
    %scan3A_65 = arith.addi %scan3A_63, %scan3A_64 : i32
    %scan3A_66 = arith.constant 1 : i32
    scf.for %scan3A_204 = %scan3A_63 to %scan3A_65 step %scan3A_66  : i32 {
      %mul3A_205 = arith.constant 2 : i32
      %mul3A_206 = arith.muli %mul3A_205, %scan3A_204 : i32
      %dma_wait3A_207 = arith.constant 0 : i32
      %dma_wait3A_208 = arith.constant 0 : i32
      %dma_wait3A_209 = tpu.memref_slice %arg7[%dma_wait3A_207, %dma_wait3A_208] : memref<128x128xf32, #tpu.memory_space<vmem>> -> memref<64x128xf32, #tpu.memory_space<vmem>>
      %dma_wait3A_210 = arith.constant 0 : i32
      %dma_wait3A_211 = tpu.memref_slice %arg5[%mul3A_206, %dma_wait3A_210] : memref<40x128xi32, #tpu.memory_space<vmem>> -> memref<1x64xi32, #tpu.memory_space<vmem>>
      %dma_wait3A_212 = tpu.memref_squeeze %dma_wait3A_211 : memref<1x64xi32, #tpu.memory_space<vmem>> -> memref<64xi32, #tpu.memory_space<vmem>>
      %dma_wait3A_213 = arith.constant 0 : i32
      %dma_wait3A_214 = arith.constant 0 : i32
      %dma_wait3A_215 = tpu.memref_slice %arg3[%dma_wait3A_213, %dma_wait3A_214] : memref<10000x128xf32, #tpu.memory_space<hbm>> -> memref<10000x128xf32, #tpu.memory_space<hbm>>
      tpu.wait_indirect_dma semaphore(%arg10 : memref<!tpu.dma_semaphore, #tpu.memory_space<semaphore_mem>>) src(%dma_wait3A_215 : memref<10000x128xf32, #tpu.memory_space<hbm>>) dst(%dma_wait3A_209 : memref<64x128xf32, #tpu.memory_space<vmem>>)
      %dma_wait3A_216 = arith.constant 64 : i32
      %dma_wait3A_217 = arith.constant 0 : i32
      %dma_wait3A_218 = tpu.memref_slice %arg7[%dma_wait3A_216, %dma_wait3A_217] : memref<128x128xf32, #tpu.memory_space<vmem>> -> memref<64x128xf32, #tpu.memory_space<vmem>>
      %dma_wait3A_219 = arith.constant 64 : i32
      %dma_wait3A_220 = tpu.memref_slice %arg5[%mul3A_206, %dma_wait3A_219] : memref<40x128xi32, #tpu.memory_space<vmem>> -> memref<1x64xi32, #tpu.memory_space<vmem>>
      %dma_wait3A_221 = tpu.memref_squeeze %dma_wait3A_220 : memref<1x64xi32, #tpu.memory_space<vmem>> -> memref<64xi32, #tpu.memory_space<vmem>>
      %dma_wait3A_222 = arith.constant 0 : i32
      %dma_wait3A_223 = arith.constant 0 : i32
      %dma_wait3A_224 = tpu.memref_slice %arg3[%dma_wait3A_222, %dma_wait3A_223] : memref<10000x128xf32, #tpu.memory_space<hbm>> -> memref<10000x128xf32, #tpu.memory_space<hbm>>
      tpu.wait_indirect_dma semaphore(%arg10 : memref<!tpu.dma_semaphore, #tpu.memory_space<semaphore_mem>>) src(%dma_wait3A_224 : memref<10000x128xf32, #tpu.memory_space<hbm>>) dst(%dma_wait3A_218 : memref<64x128xf32, #tpu.memory_space<vmem>>)
      "tpu.region"() ({
        %run_scoped3A_287 = tpu.sem_alloc : memref<!tpu.dma_semaphore, #tpu.memory_space<semaphore_mem>>
        %dma_start3A_288 = arith.constant 0 : i32
        %dma_start3A_289 = tpu.memref_slice %arg6[%mul3A_206, %dma_start3A_288] : memref<40x128xi32, #tpu.memory_space<vmem>> -> memref<1x128xi32, #tpu.memory_space<vmem>>
        %dma_start3A_290 = tpu.memref_squeeze %dma_start3A_289 : memref<1x128xi32, #tpu.memory_space<vmem>> -> memref<128xi32, #tpu.memory_space<vmem>>
        %dma_start3A_291 = arith.constant 0 : i32
        %dma_start3A_292 = arith.constant 0 : i32
        %dma_start3A_293 = tpu.memref_slice %arg9[%dma_start3A_291, %dma_start3A_292] : memref<10112x128xf32, #tpu.memory_space<vmem_shared>> -> memref<10112x128xf32, #tpu.memory_space<vmem_shared>>
        tpu.enqueue_indirect_dma source(%arg7 : memref<128x128xf32, #tpu.memory_space<vmem>>) target(%dma_start3A_293 : memref<10112x128xf32, #tpu.memory_space<vmem_shared>>) offsets(%dma_start3A_290 : memref<128xi32, #tpu.memory_space<vmem>>) semaphore(%run_scoped3A_287 : memref<!tpu.dma_semaphore, #tpu.memory_space<semaphore_mem>>) {add = true}
        %dma_wait3A_294 = arith.constant 0 : i32
        %dma_wait3A_295 = tpu.memref_slice %arg6[%mul3A_206, %dma_wait3A_294] : memref<40x128xi32, #tpu.memory_space<vmem>> -> memref<1x128xi32, #tpu.memory_space<vmem>>
        %dma_wait3A_296 = tpu.memref_squeeze %dma_wait3A_295 : memref<1x128xi32, #tpu.memory_space<vmem>> -> memref<128xi32, #tpu.memory_space<vmem>>
        %dma_wait3A_297 = arith.constant 0 : i32
        %dma_wait3A_298 = arith.constant 0 : i32
        %dma_wait3A_299 = tpu.memref_slice %arg9[%dma_wait3A_297, %dma_wait3A_298] : memref<10112x128xf32, #tpu.memory_space<vmem_shared>> -> memref<10112x128xf32, #tpu.memory_space<vmem_shared>>
        tpu.wait_indirect_dma semaphore(%run_scoped3A_287 : memref<!tpu.dma_semaphore, #tpu.memory_space<semaphore_mem>>) src(%arg7 : memref<128x128xf32, #tpu.memory_space<vmem>>) dst(%dma_wait3A_299 : memref<10112x128xf32, #tpu.memory_space<vmem_shared>>)
        tpu.yield
      }) : () -> ()
      %add3A_225 = arith.constant 2 : i32
      %add3A_226 = arith.addi %mul3A_206, %add3A_225 : i32
      %dma_start3A_227 = arith.constant 0 : i32
      %dma_start3A_228 = arith.constant 0 : i32
      %dma_start3A_229 = tpu.memref_slice %arg7[%dma_start3A_227, %dma_start3A_228] : memref<128x128xf32, #tpu.memory_space<vmem>> -> memref<64x128xf32, #tpu.memory_space<vmem>>
      %dma_start3A_230 = arith.constant 0 : i32
      %dma_start3A_231 = tpu.memref_slice %arg5[%add3A_226, %dma_start3A_230] : memref<40x128xi32, #tpu.memory_space<vmem>> -> memref<1x64xi32, #tpu.memory_space<vmem>>
      %dma_start3A_232 = tpu.memref_squeeze %dma_start3A_231 : memref<1x64xi32, #tpu.memory_space<vmem>> -> memref<64xi32, #tpu.memory_space<vmem>>
      %dma_start3A_233 = arith.constant 0 : i32
      %dma_start3A_234 = arith.constant 0 : i32
      %dma_start3A_235 = tpu.memref_slice %arg3[%dma_start3A_233, %dma_start3A_234] : memref<10000x128xf32, #tpu.memory_space<hbm>> -> memref<10000x128xf32, #tpu.memory_space<hbm>>
      tpu.enqueue_indirect_dma source(%dma_start3A_235 : memref<10000x128xf32, #tpu.memory_space<hbm>>) target(%dma_start3A_229 : memref<64x128xf32, #tpu.memory_space<vmem>>) offsets(%dma_start3A_232 : memref<64xi32, #tpu.memory_space<vmem>>) semaphore(%arg10 : memref<!tpu.dma_semaphore, #tpu.memory_space<semaphore_mem>>)
      %dma_start3A_236 = arith.constant 64 : i32
      %dma_start3A_237 = arith.constant 0 : i32
      %dma_start3A_238 = tpu.memref_slice %arg7[%dma_start3A_236, %dma_start3A_237] : memref<128x128xf32, #tpu.memory_space<vmem>> -> memref<64x128xf32, #tpu.memory_space<vmem>>
      %dma_start3A_239 = arith.constant 64 : i32
      %dma_start3A_240 = tpu.memref_slice %arg5[%add3A_226, %dma_start3A_239] : memref<40x128xi32, #tpu.memory_space<vmem>> -> memref<1x64xi32, #tpu.memory_space<vmem>>
      %dma_start3A_241 = tpu.memref_squeeze %dma_start3A_240 : memref<1x64xi32, #tpu.memory_space<vmem>> -> memref<64xi32, #tpu.memory_space<vmem>>
      %dma_start3A_242 = arith.constant 0 : i32
      %dma_start3A_243 = arith.constant 0 : i32
      %dma_start3A_244 = tpu.memref_slice %arg3[%dma_start3A_242, %dma_start3A_243] : memref<10000x128xf32, #tpu.memory_space<hbm>> -> memref<10000x128xf32, #tpu.memory_space<hbm>>
      tpu.enqueue_indirect_dma source(%dma_start3A_244 : memref<10000x128xf32, #tpu.memory_space<hbm>>) target(%dma_start3A_238 : memref<64x128xf32, #tpu.memory_space<vmem>>) offsets(%dma_start3A_241 : memref<64xi32, #tpu.memory_space<vmem>>) semaphore(%arg10 : memref<!tpu.dma_semaphore, #tpu.memory_space<semaphore_mem>>)
      %add3A_245 = arith.constant 1 : i32
      %add3A_246 = arith.addi %mul3A_206, %add3A_245 : i32
      %dma_wait3A_247 = arith.constant 0 : i32
      %dma_wait3A_248 = arith.constant 0 : i32
      %dma_wait3A_249 = tpu.memref_slice %arg8[%dma_wait3A_247, %dma_wait3A_248] : memref<128x128xf32, #tpu.memory_space<vmem>> -> memref<64x128xf32, #tpu.memory_space<vmem>>
      %dma_wait3A_250 = arith.constant 0 : i32
      %dma_wait3A_251 = tpu.memref_slice %arg5[%add3A_246, %dma_wait3A_250] : memref<40x128xi32, #tpu.memory_space<vmem>> -> memref<1x64xi32, #tpu.memory_space<vmem>>
      %dma_wait3A_252 = tpu.memref_squeeze %dma_wait3A_251 : memref<1x64xi32, #tpu.memory_space<vmem>> -> memref<64xi32, #tpu.memory_space<vmem>>
      %dma_wait3A_253 = arith.constant 0 : i32
      %dma_wait3A_254 = arith.constant 0 : i32
      %dma_wait3A_255 = tpu.memref_slice %arg3[%dma_wait3A_253, %dma_wait3A_254] : memref<10000x128xf32, #tpu.memory_space<hbm>> -> memref<10000x128xf32, #tpu.memory_space<hbm>>
      tpu.wait_indirect_dma semaphore(%arg11 : memref<!tpu.dma_semaphore, #tpu.memory_space<semaphore_mem>>) src(%dma_wait3A_255 : memref<10000x128xf32, #tpu.memory_space<hbm>>) dst(%dma_wait3A_249 : memref<64x128xf32, #tpu.memory_space<vmem>>)
      %dma_wait3A_256 = arith.constant 64 : i32
      %dma_wait3A_257 = arith.constant 0 : i32
      %dma_wait3A_258 = tpu.memref_slice %arg8[%dma_wait3A_256, %dma_wait3A_257] : memref<128x128xf32, #tpu.memory_space<vmem>> -> memref<64x128xf32, #tpu.memory_space<vmem>>
      %dma_wait3A_259 = arith.constant 64 : i32
      %dma_wait3A_260 = tpu.memref_slice %arg5[%add3A_246, %dma_wait3A_259] : memref<40x128xi32, #tpu.memory_space<vmem>> -> memref<1x64xi32, #tpu.memory_space<vmem>>
      %dma_wait3A_261 = tpu.memref_squeeze %dma_wait3A_260 : memref<1x64xi32, #tpu.memory_space<vmem>> -> memref<64xi32, #tpu.memory_space<vmem>>
      %dma_wait3A_262 = arith.constant 0 : i32
      %dma_wait3A_263 = arith.constant 0 : i32
      %dma_wait3A_264 = tpu.memref_slice %arg3[%dma_wait3A_262, %dma_wait3A_263] : memref<10000x128xf32, #tpu.memory_space<hbm>> -> memref<10000x128xf32, #tpu.memory_space<hbm>>
      tpu.wait_indirect_dma semaphore(%arg11 : memref<!tpu.dma_semaphore, #tpu.memory_space<semaphore_mem>>) src(%dma_wait3A_264 : memref<10000x128xf32, #tpu.memory_space<hbm>>) dst(%dma_wait3A_258 : memref<64x128xf32, #tpu.memory_space<vmem>>)
      %add3A_265 = arith.constant 1 : i32
      %add3A_266 = arith.addi %mul3A_206, %add3A_265 : i32
      "tpu.region"() ({
        %run_scoped3A_287 = tpu.sem_alloc : memref<!tpu.dma_semaphore, #tpu.memory_space<semaphore_mem>>
        %dma_start3A_288 = arith.constant 0 : i32
        %dma_start3A_289 = tpu.memref_slice %arg6[%add3A_266, %dma_start3A_288] : memref<40x128xi32, #tpu.memory_space<vmem>> -> memref<1x128xi32, #tpu.memory_space<vmem>>
        %dma_start3A_290 = tpu.memref_squeeze %dma_start3A_289 : memref<1x128xi32, #tpu.memory_space<vmem>> -> memref<128xi32, #tpu.memory_space<vmem>>
        %dma_start3A_291 = arith.constant 0 : i32
        %dma_start3A_292 = arith.constant 0 : i32
        %dma_start3A_293 = tpu.memref_slice %arg9[%dma_start3A_291, %dma_start3A_292] : memref<10112x128xf32, #tpu.memory_space<vmem_shared>> -> memref<10112x128xf32, #tpu.memory_space<vmem_shared>>
        tpu.enqueue_indirect_dma source(%arg8 : memref<128x128xf32, #tpu.memory_space<vmem>>) target(%dma_start3A_293 : memref<10112x128xf32, #tpu.memory_space<vmem_shared>>) offsets(%dma_start3A_290 : memref<128xi32, #tpu.memory_space<vmem>>) semaphore(%run_scoped3A_287 : memref<!tpu.dma_semaphore, #tpu.memory_space<semaphore_mem>>) {add = true}
        %dma_wait3A_294 = arith.constant 0 : i32
        %dma_wait3A_295 = tpu.memref_slice %arg6[%add3A_266, %dma_wait3A_294] : memref<40x128xi32, #tpu.memory_space<vmem>> -> memref<1x128xi32, #tpu.memory_space<vmem>>
        %dma_wait3A_296 = tpu.memref_squeeze %dma_wait3A_295 : memref<1x128xi32, #tpu.memory_space<vmem>> -> memref<128xi32, #tpu.memory_space<vmem>>
        %dma_wait3A_297 = arith.constant 0 : i32
        %dma_wait3A_298 = arith.constant 0 : i32
        %dma_wait3A_299 = tpu.memref_slice %arg9[%dma_wait3A_297, %dma_wait3A_298] : memref<10112x128xf32, #tpu.memory_space<vmem_shared>> -> memref<10112x128xf32, #tpu.memory_space<vmem_shared>>
        tpu.wait_indirect_dma semaphore(%run_scoped3A_287 : memref<!tpu.dma_semaphore, #tpu.memory_space<semaphore_mem>>) src(%arg8 : memref<128x128xf32, #tpu.memory_space<vmem>>) dst(%dma_wait3A_299 : memref<10112x128xf32, #tpu.memory_space<vmem_shared>>)
        tpu.yield
      }) : () -> ()
      %add3A_267 = arith.constant 3 : i32
      %add3A_268 = arith.addi %mul3A_206, %add3A_267 : i32
      %dma_start3A_269 = arith.constant 0 : i32
      %dma_start3A_270 = arith.constant 0 : i32
      %dma_start3A_271 = tpu.memref_slice %arg8[%dma_start3A_269, %dma_start3A_270] : memref<128x128xf32, #tpu.memory_space<vmem>> -> memref<64x128xf32, #tpu.memory_space<vmem>>
      %dma_start3A_272 = arith.constant 0 : i32
      %dma_start3A_273 = tpu.memref_slice %arg5[%add3A_268, %dma_start3A_272] : memref<40x128xi32, #tpu.memory_space<vmem>> -> memref<1x64xi32, #tpu.memory_space<vmem>>
      %dma_start3A_274 = tpu.memref_squeeze %dma_start3A_273 : memref<1x64xi32, #tpu.memory_space<vmem>> -> memref<64xi32, #tpu.memory_space<vmem>>
      %dma_start3A_275 = arith.constant 0 : i32
      %dma_start3A_276 = arith.constant 0 : i32
      %dma_start3A_277 = tpu.memref_slice %arg3[%dma_start3A_275, %dma_start3A_276] : memref<10000x128xf32, #tpu.memory_space<hbm>> -> memref<10000x128xf32, #tpu.memory_space<hbm>>
      tpu.enqueue_indirect_dma source(%dma_start3A_277 : memref<10000x128xf32, #tpu.memory_space<hbm>>) target(%dma_start3A_271 : memref<64x128xf32, #tpu.memory_space<vmem>>) offsets(%dma_start3A_274 : memref<64xi32, #tpu.memory_space<vmem>>) semaphore(%arg11 : memref<!tpu.dma_semaphore, #tpu.memory_space<semaphore_mem>>)
      %dma_start3A_278 = arith.constant 64 : i32
      %dma_start3A_279 = arith.constant 0 : i32
      %dma_start3A_280 = tpu.memref_slice %arg8[%dma_start3A_278, %dma_start3A_279] : memref<128x128xf32, #tpu.memory_space<vmem>> -> memref<64x128xf32, #tpu.memory_space<vmem>>
      %dma_start3A_281 = arith.constant 64 : i32
      %dma_start3A_282 = tpu.memref_slice %arg5[%add3A_268, %dma_start3A_281] : memref<40x128xi32, #tpu.memory_space<vmem>> -> memref<1x64xi32, #tpu.memory_space<vmem>>
      %dma_start3A_283 = tpu.memref_squeeze %dma_start3A_282 : memref<1x64xi32, #tpu.memory_space<vmem>> -> memref<64xi32, #tpu.memory_space<vmem>>
      %dma_start3A_284 = arith.constant 0 : i32
      %dma_start3A_285 = arith.constant 0 : i32
      %dma_start3A_286 = tpu.memref_slice %arg3[%dma_start3A_284, %dma_start3A_285] : memref<10000x128xf32, #tpu.memory_space<hbm>> -> memref<10000x128xf32, #tpu.memory_space<hbm>>
      tpu.enqueue_indirect_dma source(%dma_start3A_286 : memref<10000x128xf32, #tpu.memory_space<hbm>>) target(%dma_start3A_280 : memref<64x128xf32, #tpu.memory_space<vmem>>) offsets(%dma_start3A_283 : memref<64xi32, #tpu.memory_space<vmem>>) semaphore(%arg11 : memref<!tpu.dma_semaphore, #tpu.memory_space<semaphore_mem>>)
    }
    %scan3A_67 = arith.constant 19 : i32
    %dma_wait3A = arith.constant 38 : i32
    %dma_wait3A_68 = arith.constant 0 : i32
    %dma_wait3A_69 = arith.constant 0 : i32
    %dma_wait3A_70 = tpu.memref_slice %arg7[%dma_wait3A_68, %dma_wait3A_69] : memref<128x128xf32, #tpu.memory_space<vmem>> -> memref<64x128xf32, #tpu.memory_space<vmem>>
    %dma_wait3A_71 = arith.constant 0 : i32
    %dma_wait3A_72 = tpu.memref_slice %arg5[%dma_wait3A, %dma_wait3A_71] : memref<40x128xi32, #tpu.memory_space<vmem>> -> memref<1x64xi32, #tpu.memory_space<vmem>>
    %dma_wait3A_73 = tpu.memref_squeeze %dma_wait3A_72 : memref<1x64xi32, #tpu.memory_space<vmem>> -> memref<64xi32, #tpu.memory_space<vmem>>
    %dma_wait3A_74 = arith.constant 0 : i32
    %dma_wait3A_75 = arith.constant 0 : i32
    %dma_wait3A_76 = tpu.memref_slice %arg3[%dma_wait3A_74, %dma_wait3A_75] : memref<10000x128xf32, #tpu.memory_space<hbm>> -> memref<10000x128xf32, #tpu.memory_space<hbm>>
    tpu.wait_indirect_dma semaphore(%arg10 : memref<!tpu.dma_semaphore, #tpu.memory_space<semaphore_mem>>) src(%dma_wait3A_76 : memref<10000x128xf32, #tpu.memory_space<hbm>>) dst(%dma_wait3A_70 : memref<64x128xf32, #tpu.memory_space<vmem>>)
    %dma_wait3A_77 = arith.constant 38 : i32
    %dma_wait3A_78 = arith.constant 64 : i32
    %dma_wait3A_79 = arith.constant 0 : i32
    %dma_wait3A_80 = tpu.memref_slice %arg7[%dma_wait3A_78, %dma_wait3A_79] : memref<128x128xf32, #tpu.memory_space<vmem>> -> memref<64x128xf32, #tpu.memory_space<vmem>>
    %dma_wait3A_81 = arith.constant 64 : i32
    %dma_wait3A_82 = tpu.memref_slice %arg5[%dma_wait3A_77, %dma_wait3A_81] : memref<40x128xi32, #tpu.memory_space<vmem>> -> memref<1x64xi32, #tpu.memory_space<vmem>>
    %dma_wait3A_83 = tpu.memref_squeeze %dma_wait3A_82 : memref<1x64xi32, #tpu.memory_space<vmem>> -> memref<64xi32, #tpu.memory_space<vmem>>
    %dma_wait3A_84 = arith.constant 0 : i32
    %dma_wait3A_85 = arith.constant 0 : i32
    %dma_wait3A_86 = tpu.memref_slice %arg3[%dma_wait3A_84, %dma_wait3A_85] : memref<10000x128xf32, #tpu.memory_space<hbm>> -> memref<10000x128xf32, #tpu.memory_space<hbm>>
    tpu.wait_indirect_dma semaphore(%arg10 : memref<!tpu.dma_semaphore, #tpu.memory_space<semaphore_mem>>) src(%dma_wait3A_86 : memref<10000x128xf32, #tpu.memory_space<hbm>>) dst(%dma_wait3A_80 : memref<64x128xf32, #tpu.memory_space<vmem>>)
    %run_scoped3A_87 = arith.constant 38 : i32
    "tpu.region"() ({
      %run_scoped3A_204 = tpu.sem_alloc : memref<!tpu.dma_semaphore, #tpu.memory_space<semaphore_mem>>
      %dma_start3A_205 = arith.constant 0 : i32
      %dma_start3A_206 = tpu.memref_slice %arg6[%run_scoped3A_87, %dma_start3A_205] : memref<40x128xi32, #tpu.memory_space<vmem>> -> memref<1x128xi32, #tpu.memory_space<vmem>>
      %dma_start3A_207 = tpu.memref_squeeze %dma_start3A_206 : memref<1x128xi32, #tpu.memory_space<vmem>> -> memref<128xi32, #tpu.memory_space<vmem>>
      %dma_start3A_208 = arith.constant 0 : i32
      %dma_start3A_209 = arith.constant 0 : i32
      %dma_start3A_210 = tpu.memref_slice %arg9[%dma_start3A_208, %dma_start3A_209] : memref<10112x128xf32, #tpu.memory_space<vmem_shared>> -> memref<10112x128xf32, #tpu.memory_space<vmem_shared>>
      tpu.enqueue_indirect_dma source(%arg7 : memref<128x128xf32, #tpu.memory_space<vmem>>) target(%dma_start3A_210 : memref<10112x128xf32, #tpu.memory_space<vmem_shared>>) offsets(%dma_start3A_207 : memref<128xi32, #tpu.memory_space<vmem>>) semaphore(%run_scoped3A_204 : memref<!tpu.dma_semaphore, #tpu.memory_space<semaphore_mem>>) {add = true}
      %dma_wait3A_211 = arith.constant 0 : i32
      %dma_wait3A_212 = tpu.memref_slice %arg6[%run_scoped3A_87, %dma_wait3A_211] : memref<40x128xi32, #tpu.memory_space<vmem>> -> memref<1x128xi32, #tpu.memory_space<vmem>>
      %dma_wait3A_213 = tpu.memref_squeeze %dma_wait3A_212 : memref<1x128xi32, #tpu.memory_space<vmem>> -> memref<128xi32, #tpu.memory_space<vmem>>
      %dma_wait3A_214 = arith.constant 0 : i32
      %dma_wait3A_215 = arith.constant 0 : i32
      %dma_wait3A_216 = tpu.memref_slice %arg9[%dma_wait3A_214, %dma_wait3A_215] : memref<10112x128xf32, #tpu.memory_space<vmem_shared>> -> memref<10112x128xf32, #tpu.memory_space<vmem_shared>>
      tpu.wait_indirect_dma semaphore(%run_scoped3A_204 : memref<!tpu.dma_semaphore, #tpu.memory_space<semaphore_mem>>) src(%arg7 : memref<128x128xf32, #tpu.memory_space<vmem>>) dst(%dma_wait3A_216 : memref<10112x128xf32, #tpu.memory_space<vmem_shared>>)
      tpu.yield
    }) : () -> ()
    %dma_wait3A_88 = arith.constant 39 : i32
    %dma_wait3A_89 = arith.constant 0 : i32
    %dma_wait3A_90 = arith.constant 0 : i32
    %dma_wait3A_91 = tpu.memref_slice %arg8[%dma_wait3A_89, %dma_wait3A_90] : memref<128x128xf32, #tpu.memory_space<vmem>> -> memref<64x128xf32, #tpu.memory_space<vmem>>
    %dma_wait3A_92 = arith.constant 0 : i32
    %dma_wait3A_93 = tpu.memref_slice %arg5[%dma_wait3A_88, %dma_wait3A_92] : memref<40x128xi32, #tpu.memory_space<vmem>> -> memref<1x64xi32, #tpu.memory_space<vmem>>
    %dma_wait3A_94 = tpu.memref_squeeze %dma_wait3A_93 : memref<1x64xi32, #tpu.memory_space<vmem>> -> memref<64xi32, #tpu.memory_space<vmem>>
    %dma_wait3A_95 = arith.constant 0 : i32
    %dma_wait3A_96 = arith.constant 0 : i32
    %dma_wait3A_97 = tpu.memref_slice %arg3[%dma_wait3A_95, %dma_wait3A_96] : memref<10000x128xf32, #tpu.memory_space<hbm>> -> memref<10000x128xf32, #tpu.memory_space<hbm>>
    tpu.wait_indirect_dma semaphore(%arg11 : memref<!tpu.dma_semaphore, #tpu.memory_space<semaphore_mem>>) src(%dma_wait3A_97 : memref<10000x128xf32, #tpu.memory_space<hbm>>) dst(%dma_wait3A_91 : memref<64x128xf32, #tpu.memory_space<vmem>>)
    %dma_wait3A_98 = arith.constant 39 : i32
    %dma_wait3A_99 = arith.constant 64 : i32
    %dma_wait3A_100 = arith.constant 0 : i32
    %dma_wait3A_101 = tpu.memref_slice %arg8[%dma_wait3A_99, %dma_wait3A_100] : memref<128x128xf32, #tpu.memory_space<vmem>> -> memref<64x128xf32, #tpu.memory_space<vmem>>
    %dma_wait3A_102 = arith.constant 64 : i32
    %dma_wait3A_103 = tpu.memref_slice %arg5[%dma_wait3A_98, %dma_wait3A_102] : memref<40x128xi32, #tpu.memory_space<vmem>> -> memref<1x64xi32, #tpu.memory_space<vmem>>
    %dma_wait3A_104 = tpu.memref_squeeze %dma_wait3A_103 : memref<1x64xi32, #tpu.memory_space<vmem>> -> memref<64xi32, #tpu.memory_space<vmem>>
    %dma_wait3A_105 = arith.constant 0 : i32
    %dma_wait3A_106 = arith.constant 0 : i32
    %dma_wait3A_107 = tpu.memref_slice %arg3[%dma_wait3A_105, %dma_wait3A_106] : memref<10000x128xf32, #tpu.memory_space<hbm>> -> memref<10000x128xf32, #tpu.memory_space<hbm>>
    tpu.wait_indirect_dma semaphore(%arg11 : memref<!tpu.dma_semaphore, #tpu.memory_space<semaphore_mem>>) src(%dma_wait3A_107 : memref<10000x128xf32, #tpu.memory_space<hbm>>) dst(%dma_wait3A_101 : memref<64x128xf32, #tpu.memory_space<vmem>>)
    %run_scoped3A_108 = arith.constant 39 : i32
    "tpu.region"() ({
      %run_scoped3A_204 = tpu.sem_alloc : memref<!tpu.dma_semaphore, #tpu.memory_space<semaphore_mem>>
      %dma_start3A_205 = arith.constant 0 : i32
      %dma_start3A_206 = tpu.memref_slice %arg6[%run_scoped3A_108, %dma_start3A_205] : memref<40x128xi32, #tpu.memory_space<vmem>> -> memref<1x128xi32, #tpu.memory_space<vmem>>
      %dma_start3A_207 = tpu.memref_squeeze %dma_start3A_206 : memref<1x128xi32, #tpu.memory_space<vmem>> -> memref<128xi32, #tpu.memory_space<vmem>>
      %dma_start3A_208 = arith.constant 0 : i32
      %dma_start3A_209 = arith.constant 0 : i32
      %dma_start3A_210 = tpu.memref_slice %arg9[%dma_start3A_208, %dma_start3A_209] : memref<10112x128xf32, #tpu.memory_space<vmem_shared>> -> memref<10112x128xf32, #tpu.memory_space<vmem_shared>>
      tpu.enqueue_indirect_dma source(%arg8 : memref<128x128xf32, #tpu.memory_space<vmem>>) target(%dma_start3A_210 : memref<10112x128xf32, #tpu.memory_space<vmem_shared>>) offsets(%dma_start3A_207 : memref<128xi32, #tpu.memory_space<vmem>>) semaphore(%run_scoped3A_204 : memref<!tpu.dma_semaphore, #tpu.memory_space<semaphore_mem>>) {add = true}
      %dma_wait3A_211 = arith.constant 0 : i32
      %dma_wait3A_212 = tpu.memref_slice %arg6[%run_scoped3A_108, %dma_wait3A_211] : memref<40x128xi32, #tpu.memory_space<vmem>> -> memref<1x128xi32, #tpu.memory_space<vmem>>
      %dma_wait3A_213 = tpu.memref_squeeze %dma_wait3A_212 : memref<1x128xi32, #tpu.memory_space<vmem>> -> memref<128xi32, #tpu.memory_space<vmem>>
      %dma_wait3A_214 = arith.constant 0 : i32
      %dma_wait3A_215 = arith.constant 0 : i32
      %dma_wait3A_216 = tpu.memref_slice %arg9[%dma_wait3A_214, %dma_wait3A_215] : memref<10112x128xf32, #tpu.memory_space<vmem_shared>> -> memref<10112x128xf32, #tpu.memory_space<vmem_shared>>
      tpu.wait_indirect_dma semaphore(%run_scoped3A_204 : memref<!tpu.dma_semaphore, #tpu.memory_space<semaphore_mem>>) src(%arg8 : memref<128x128xf32, #tpu.memory_space<vmem>>) dst(%dma_wait3A_216 : memref<10112x128xf32, #tpu.memory_space<vmem_shared>>)
      tpu.yield
    }) : () -> ()
    %run_scoped3A_109 = arith.constant 0 : i32
    "tpu.region"() ({
      %run_scoped3A_204 = tpu.sem_alloc : memref<!tpu.dma_semaphore, #tpu.memory_space<semaphore_mem>>
      %dma_start3A_205 = arith.constant 40 : i32
      %dma_start3A_206 = arith.constant 0 : i32
      %dma_start3A_207 = tpu.memref_slice %arg2[%run_scoped3A_109, %add3A, %dma_start3A_205, %dma_start3A_206] : memref<2x32x80x128xi32, #tpu.memory_space<hbm>> -> memref<1x1x40x128xi32, #tpu.memory_space<hbm>>
      %dma_start3A_208 = tpu.memref_squeeze %dma_start3A_207 : memref<1x1x40x128xi32, #tpu.memory_space<hbm>> -> memref<40x128xi32, #tpu.memory_space<hbm>>
      %dma_start3A_209 = arith.constant 40 : i32
      %dma_start3A_210 = arith.constant 0 : i32
      %dma_start3A_211 = tpu.memref_slice %arg2[%run_scoped3A_109, %add3A, %dma_start3A_209, %dma_start3A_210] : memref<2x32x80x128xi32, #tpu.memory_space<hbm>> -> memref<1x1x40x128xi32, #tpu.memory_space<hbm>>
      %dma_start3A_212 = tpu.memref_squeeze %dma_start3A_211 : memref<1x1x40x128xi32, #tpu.memory_space<hbm>> -> memref<40x128xi32, #tpu.memory_space<hbm>>
      tpu.enqueue_dma source(%dma_start3A_212 : memref<40x128xi32, #tpu.memory_space<hbm>>) target(%arg5 : memref<40x128xi32, #tpu.memory_space<vmem>>) target_semaphore(%run_scoped3A_204 : memref<!tpu.dma_semaphore, #tpu.memory_space<semaphore_mem>>)
      %dma_wait3A_213 = arith.constant 40 : i32
      %dma_wait3A_214 = arith.constant 0 : i32
      %dma_wait3A_215 = tpu.memref_slice %arg2[%run_scoped3A_109, %add3A, %dma_wait3A_213, %dma_wait3A_214] : memref<2x32x80x128xi32, #tpu.memory_space<hbm>> -> memref<1x1x40x128xi32, #tpu.memory_space<hbm>>
      %dma_wait3A_216 = tpu.memref_squeeze %dma_wait3A_215 : memref<1x1x40x128xi32, #tpu.memory_space<hbm>> -> memref<40x128xi32, #tpu.memory_space<hbm>>
      %dma_wait3A_217 = arith.constant 40 : i32
      %dma_wait3A_218 = arith.constant 0 : i32
      %dma_wait3A_219 = tpu.memref_slice %arg2[%run_scoped3A_109, %add3A, %dma_wait3A_217, %dma_wait3A_218] : memref<2x32x80x128xi32, #tpu.memory_space<hbm>> -> memref<1x1x40x128xi32, #tpu.memory_space<hbm>>
      %dma_wait3A_220 = tpu.memref_squeeze %dma_wait3A_219 : memref<1x1x40x128xi32, #tpu.memory_space<hbm>> -> memref<40x128xi32, #tpu.memory_space<hbm>>
      tpu.wait_dma2 semaphore(%run_scoped3A_204 : memref<!tpu.dma_semaphore, #tpu.memory_space<semaphore_mem>>) src(%dma_wait3A_220 : memref<40x128xi32, #tpu.memory_space<hbm>>) dst(%arg5 : memref<40x128xi32, #tpu.memory_space<vmem>>)
      tpu.yield
    }) : () -> ()
    %run_scoped3A_110 = arith.constant 1 : i32
    "tpu.region"() ({
      %run_scoped3A_204 = tpu.sem_alloc : memref<!tpu.dma_semaphore, #tpu.memory_space<semaphore_mem>>
      %dma_start3A_205 = arith.constant 40 : i32
      %dma_start3A_206 = arith.constant 0 : i32
      %dma_start3A_207 = tpu.memref_slice %arg2[%run_scoped3A_110, %add3A, %dma_start3A_205, %dma_start3A_206] : memref<2x32x80x128xi32, #tpu.memory_space<hbm>> -> memref<1x1x40x128xi32, #tpu.memory_space<hbm>>
      %dma_start3A_208 = tpu.memref_squeeze %dma_start3A_207 : memref<1x1x40x128xi32, #tpu.memory_space<hbm>> -> memref<40x128xi32, #tpu.memory_space<hbm>>
      %dma_start3A_209 = arith.constant 40 : i32
      %dma_start3A_210 = arith.constant 0 : i32
      %dma_start3A_211 = tpu.memref_slice %arg2[%run_scoped3A_110, %add3A, %dma_start3A_209, %dma_start3A_210] : memref<2x32x80x128xi32, #tpu.memory_space<hbm>> -> memref<1x1x40x128xi32, #tpu.memory_space<hbm>>
      %dma_start3A_212 = tpu.memref_squeeze %dma_start3A_211 : memref<1x1x40x128xi32, #tpu.memory_space<hbm>> -> memref<40x128xi32, #tpu.memory_space<hbm>>
      tpu.enqueue_dma source(%dma_start3A_212 : memref<40x128xi32, #tpu.memory_space<hbm>>) target(%arg6 : memref<40x128xi32, #tpu.memory_space<vmem>>) target_semaphore(%run_scoped3A_204 : memref<!tpu.dma_semaphore, #tpu.memory_space<semaphore_mem>>)
      %dma_wait3A_213 = arith.constant 40 : i32
      %dma_wait3A_214 = arith.constant 0 : i32
      %dma_wait3A_215 = tpu.memref_slice %arg2[%run_scoped3A_110, %add3A, %dma_wait3A_213, %dma_wait3A_214] : memref<2x32x80x128xi32, #tpu.memory_space<hbm>> -> memref<1x1x40x128xi32, #tpu.memory_space<hbm>>
      %dma_wait3A_216 = tpu.memref_squeeze %dma_wait3A_215 : memref<1x1x40x128xi32, #tpu.memory_space<hbm>> -> memref<40x128xi32, #tpu.memory_space<hbm>>
      %dma_wait3A_217 = arith.constant 40 : i32
      %dma_wait3A_218 = arith.constant 0 : i32
      %dma_wait3A_219 = tpu.memref_slice %arg2[%run_scoped3A_110, %add3A, %dma_wait3A_217, %dma_wait3A_218] : memref<2x32x80x128xi32, #tpu.memory_space<hbm>> -> memref<1x1x40x128xi32, #tpu.memory_space<hbm>>
      %dma_wait3A_220 = tpu.memref_squeeze %dma_wait3A_219 : memref<1x1x40x128xi32, #tpu.memory_space<hbm>> -> memref<40x128xi32, #tpu.memory_space<hbm>>
      tpu.wait_dma2 semaphore(%run_scoped3A_204 : memref<!tpu.dma_semaphore, #tpu.memory_space<semaphore_mem>>) src(%dma_wait3A_220 : memref<40x128xi32, #tpu.memory_space<hbm>>) dst(%arg6 : memref<40x128xi32, #tpu.memory_space<vmem>>)
      tpu.yield
    }) : () -> ()
    %dma_start3A_111 = arith.constant 0 : i32
    %dma_start3A_112 = arith.constant 0 : i32
    %dma_start3A_113 = arith.constant 0 : i32
    %dma_start3A_114 = tpu.memref_slice %arg7[%dma_start3A_112, %dma_start3A_113] : memref<128x128xf32, #tpu.memory_space<vmem>> -> memref<64x128xf32, #tpu.memory_space<vmem>>
    %dma_start3A_115 = arith.constant 0 : i32
    %dma_start3A_116 = tpu.memref_slice %arg5[%dma_start3A_111, %dma_start3A_115] : memref<40x128xi32, #tpu.memory_space<vmem>> -> memref<1x64xi32, #tpu.memory_space<vmem>>
    %dma_start3A_117 = tpu.memref_squeeze %dma_start3A_116 : memref<1x64xi32, #tpu.memory_space<vmem>> -> memref<64xi32, #tpu.memory_space<vmem>>
    %dma_start3A_118 = arith.constant 0 : i32
    %dma_start3A_119 = arith.constant 0 : i32
    %dma_start3A_120 = tpu.memref_slice %arg3[%dma_start3A_118, %dma_start3A_119] : memref<10000x128xf32, #tpu.memory_space<hbm>> -> memref<10000x128xf32, #tpu.memory_space<hbm>>
    tpu.enqueue_indirect_dma source(%dma_start3A_120 : memref<10000x128xf32, #tpu.memory_space<hbm>>) target(%dma_start3A_114 : memref<64x128xf32, #tpu.memory_space<vmem>>) offsets(%dma_start3A_117 : memref<64xi32, #tpu.memory_space<vmem>>) semaphore(%arg10 : memref<!tpu.dma_semaphore, #tpu.memory_space<semaphore_mem>>)
    %dma_start3A_121 = arith.constant 0 : i32
    %dma_start3A_122 = arith.constant 64 : i32
    %dma_start3A_123 = arith.constant 0 : i32
    %dma_start3A_124 = tpu.memref_slice %arg7[%dma_start3A_122, %dma_start3A_123] : memref<128x128xf32, #tpu.memory_space<vmem>> -> memref<64x128xf32, #tpu.memory_space<vmem>>
    %dma_start3A_125 = arith.constant 64 : i32
    %dma_start3A_126 = tpu.memref_slice %arg5[%dma_start3A_121, %dma_start3A_125] : memref<40x128xi32, #tpu.memory_space<vmem>> -> memref<1x64xi32, #tpu.memory_space<vmem>>
    %dma_start3A_127 = tpu.memref_squeeze %dma_start3A_126 : memref<1x64xi32, #tpu.memory_space<vmem>> -> memref<64xi32, #tpu.memory_space<vmem>>
    %dma_start3A_128 = arith.constant 0 : i32
    %dma_start3A_129 = arith.constant 0 : i32
    %dma_start3A_130 = tpu.memref_slice %arg3[%dma_start3A_128, %dma_start3A_129] : memref<10000x128xf32, #tpu.memory_space<hbm>> -> memref<10000x128xf32, #tpu.memory_space<hbm>>
    tpu.enqueue_indirect_dma source(%dma_start3A_130 : memref<10000x128xf32, #tpu.memory_space<hbm>>) target(%dma_start3A_124 : memref<64x128xf32, #tpu.memory_space<vmem>>) offsets(%dma_start3A_127 : memref<64xi32, #tpu.memory_space<vmem>>) semaphore(%arg10 : memref<!tpu.dma_semaphore, #tpu.memory_space<semaphore_mem>>)
    %dma_start3A_131 = arith.constant 1 : i32
    %dma_start3A_132 = arith.constant 0 : i32
    %dma_start3A_133 = arith.constant 0 : i32
    %dma_start3A_134 = tpu.memref_slice %arg8[%dma_start3A_132, %dma_start3A_133] : memref<128x128xf32, #tpu.memory_space<vmem>> -> memref<64x128xf32, #tpu.memory_space<vmem>>
    %dma_start3A_135 = arith.constant 0 : i32
    %dma_start3A_136 = tpu.memref_slice %arg5[%dma_start3A_131, %dma_start3A_135] : memref<40x128xi32, #tpu.memory_space<vmem>> -> memref<1x64xi32, #tpu.memory_space<vmem>>
    %dma_start3A_137 = tpu.memref_squeeze %dma_start3A_136 : memref<1x64xi32, #tpu.memory_space<vmem>> -> memref<64xi32, #tpu.memory_space<vmem>>
    %dma_start3A_138 = arith.constant 0 : i32
    %dma_start3A_139 = arith.constant 0 : i32
    %dma_start3A_140 = tpu.memref_slice %arg3[%dma_start3A_138, %dma_start3A_139] : memref<10000x128xf32, #tpu.memory_space<hbm>> -> memref<10000x128xf32, #tpu.memory_space<hbm>>
    tpu.enqueue_indirect_dma source(%dma_start3A_140 : memref<10000x128xf32, #tpu.memory_space<hbm>>) target(%dma_start3A_134 : memref<64x128xf32, #tpu.memory_space<vmem>>) offsets(%dma_start3A_137 : memref<64xi32, #tpu.memory_space<vmem>>) semaphore(%arg11 : memref<!tpu.dma_semaphore, #tpu.memory_space<semaphore_mem>>)
    %dma_start3A_141 = arith.constant 1 : i32
    %dma_start3A_142 = arith.constant 64 : i32
    %dma_start3A_143 = arith.constant 0 : i32
    %dma_start3A_144 = tpu.memref_slice %arg8[%dma_start3A_142, %dma_start3A_143] : memref<128x128xf32, #tpu.memory_space<vmem>> -> memref<64x128xf32, #tpu.memory_space<vmem>>
    %dma_start3A_145 = arith.constant 64 : i32
    %dma_start3A_146 = tpu.memref_slice %arg5[%dma_start3A_141, %dma_start3A_145] : memref<40x128xi32, #tpu.memory_space<vmem>> -> memref<1x64xi32, #tpu.memory_space<vmem>>
    %dma_start3A_147 = tpu.memref_squeeze %dma_start3A_146 : memref<1x64xi32, #tpu.memory_space<vmem>> -> memref<64xi32, #tpu.memory_space<vmem>>
    %dma_start3A_148 = arith.constant 0 : i32
    %dma_start3A_149 = arith.constant 0 : i32
    %dma_start3A_150 = tpu.memref_slice %arg3[%dma_start3A_148, %dma_start3A_149] : memref<10000x128xf32, #tpu.memory_space<hbm>> -> memref<10000x128xf32, #tpu.memory_space<hbm>>
    tpu.enqueue_indirect_dma source(%dma_start3A_150 : memref<10000x128xf32, #tpu.memory_space<hbm>>) target(%dma_start3A_144 : memref<64x128xf32, #tpu.memory_space<vmem>>) offsets(%dma_start3A_147 : memref<64xi32, #tpu.memory_space<vmem>>) semaphore(%arg11 : memref<!tpu.dma_semaphore, #tpu.memory_space<semaphore_mem>>)
    %scan3A_151 = arith.constant 0 : i32
    %scan3A_152 = arith.constant 0 : i32
    %scan3A_153 = arith.constant 19 : i32
    %scan3A_154 = arith.addi %scan3A_152, %scan3A_153 : i32
    %scan3A_155 = arith.constant 1 : i32
    scf.for %scan3A_204 = %scan3A_152 to %scan3A_154 step %scan3A_155  : i32 {
      %mul3A_205 = arith.constant 2 : i32
      %mul3A_206 = arith.muli %mul3A_205, %scan3A_204 : i32
      %dma_wait3A_207 = arith.constant 0 : i32
      %dma_wait3A_208 = arith.constant 0 : i32
      %dma_wait3A_209 = tpu.memref_slice %arg7[%dma_wait3A_207, %dma_wait3A_208] : memref<128x128xf32, #tpu.memory_space<vmem>> -> memref<64x128xf32, #tpu.memory_space<vmem>>
      %dma_wait3A_210 = arith.constant 0 : i32
      %dma_wait3A_211 = tpu.memref_slice %arg5[%mul3A_206, %dma_wait3A_210] : memref<40x128xi32, #tpu.memory_space<vmem>> -> memref<1x64xi32, #tpu.memory_space<vmem>>
      %dma_wait3A_212 = tpu.memref_squeeze %dma_wait3A_211 : memref<1x64xi32, #tpu.memory_space<vmem>> -> memref<64xi32, #tpu.memory_space<vmem>>
      %dma_wait3A_213 = arith.constant 0 : i32
      %dma_wait3A_214 = arith.constant 0 : i32
      %dma_wait3A_215 = tpu.memref_slice %arg3[%dma_wait3A_213, %dma_wait3A_214] : memref<10000x128xf32, #tpu.memory_space<hbm>> -> memref<10000x128xf32, #tpu.memory_space<hbm>>
      tpu.wait_indirect_dma semaphore(%arg10 : memref<!tpu.dma_semaphore, #tpu.memory_space<semaphore_mem>>) src(%dma_wait3A_215 : memref<10000x128xf32, #tpu.memory_space<hbm>>) dst(%dma_wait3A_209 : memref<64x128xf32, #tpu.memory_space<vmem>>)
      %dma_wait3A_216 = arith.constant 64 : i32
      %dma_wait3A_217 = arith.constant 0 : i32
      %dma_wait3A_218 = tpu.memref_slice %arg7[%dma_wait3A_216, %dma_wait3A_217] : memref<128x128xf32, #tpu.memory_space<vmem>> -> memref<64x128xf32, #tpu.memory_space<vmem>>
      %dma_wait3A_219 = arith.constant 64 : i32
      %dma_wait3A_220 = tpu.memref_slice %arg5[%mul3A_206, %dma_wait3A_219] : memref<40x128xi32, #tpu.memory_space<vmem>> -> memref<1x64xi32, #tpu.memory_space<vmem>>
      %dma_wait3A_221 = tpu.memref_squeeze %dma_wait3A_220 : memref<1x64xi32, #tpu.memory_space<vmem>> -> memref<64xi32, #tpu.memory_space<vmem>>
      %dma_wait3A_222 = arith.constant 0 : i32
      %dma_wait3A_223 = arith.constant 0 : i32
      %dma_wait3A_224 = tpu.memref_slice %arg3[%dma_wait3A_222, %dma_wait3A_223] : memref<10000x128xf32, #tpu.memory_space<hbm>> -> memref<10000x128xf32, #tpu.memory_space<hbm>>
      tpu.wait_indirect_dma semaphore(%arg10 : memref<!tpu.dma_semaphore, #tpu.memory_space<semaphore_mem>>) src(%dma_wait3A_224 : memref<10000x128xf32, #tpu.memory_space<hbm>>) dst(%dma_wait3A_218 : memref<64x128xf32, #tpu.memory_space<vmem>>)
      "tpu.region"() ({
        %run_scoped3A_287 = tpu.sem_alloc : memref<!tpu.dma_semaphore, #tpu.memory_space<semaphore_mem>>
        %dma_start3A_288 = arith.constant 0 : i32
        %dma_start3A_289 = tpu.memref_slice %arg6[%mul3A_206, %dma_start3A_288] : memref<40x128xi32, #tpu.memory_space<vmem>> -> memref<1x128xi32, #tpu.memory_space<vmem>>
        %dma_start3A_290 = tpu.memref_squeeze %dma_start3A_289 : memref<1x128xi32, #tpu.memory_space<vmem>> -> memref<128xi32, #tpu.memory_space<vmem>>
        %dma_start3A_291 = arith.constant 0 : i32
        %dma_start3A_292 = arith.constant 0 : i32
        %dma_start3A_293 = tpu.memref_slice %arg9[%dma_start3A_291, %dma_start3A_292] : memref<10112x128xf32, #tpu.memory_space<vmem_shared>> -> memref<10112x128xf32, #tpu.memory_space<vmem_shared>>
        tpu.enqueue_indirect_dma source(%arg7 : memref<128x128xf32, #tpu.memory_space<vmem>>) target(%dma_start3A_293 : memref<10112x128xf32, #tpu.memory_space<vmem_shared>>) offsets(%dma_start3A_290 : memref<128xi32, #tpu.memory_space<vmem>>) semaphore(%run_scoped3A_287 : memref<!tpu.dma_semaphore, #tpu.memory_space<semaphore_mem>>) {add = true}
        %dma_wait3A_294 = arith.constant 0 : i32
        %dma_wait3A_295 = tpu.memref_slice %arg6[%mul3A_206, %dma_wait3A_294] : memref<40x128xi32, #tpu.memory_space<vmem>> -> memref<1x128xi32, #tpu.memory_space<vmem>>
        %dma_wait3A_296 = tpu.memref_squeeze %dma_wait3A_295 : memref<1x128xi32, #tpu.memory_space<vmem>> -> memref<128xi32, #tpu.memory_space<vmem>>
        %dma_wait3A_297 = arith.constant 0 : i32
        %dma_wait3A_298 = arith.constant 0 : i32
        %dma_wait3A_299 = tpu.memref_slice %arg9[%dma_wait3A_297, %dma_wait3A_298] : memref<10112x128xf32, #tpu.memory_space<vmem_shared>> -> memref<10112x128xf32, #tpu.memory_space<vmem_shared>>
        tpu.wait_indirect_dma semaphore(%run_scoped3A_287 : memref<!tpu.dma_semaphore, #tpu.memory_space<semaphore_mem>>) src(%arg7 : memref<128x128xf32, #tpu.memory_space<vmem>>) dst(%dma_wait3A_299 : memref<10112x128xf32, #tpu.memory_space<vmem_shared>>)
        tpu.yield
      }) : () -> ()
      %add3A_225 = arith.constant 2 : i32
      %add3A_226 = arith.addi %mul3A_206, %add3A_225 : i32
      %dma_start3A_227 = arith.constant 0 : i32
      %dma_start3A_228 = arith.constant 0 : i32
      %dma_start3A_229 = tpu.memref_slice %arg7[%dma_start3A_227, %dma_start3A_228] : memref<128x128xf32, #tpu.memory_space<vmem>> -> memref<64x128xf32, #tpu.memory_space<vmem>>
      %dma_start3A_230 = arith.constant 0 : i32
      %dma_start3A_231 = tpu.memref_slice %arg5[%add3A_226, %dma_start3A_230] : memref<40x128xi32, #tpu.memory_space<vmem>> -> memref<1x64xi32, #tpu.memory_space<vmem>>
      %dma_start3A_232 = tpu.memref_squeeze %dma_start3A_231 : memref<1x64xi32, #tpu.memory_space<vmem>> -> memref<64xi32, #tpu.memory_space<vmem>>
      %dma_start3A_233 = arith.constant 0 : i32
      %dma_start3A_234 = arith.constant 0 : i32
      %dma_start3A_235 = tpu.memref_slice %arg3[%dma_start3A_233, %dma_start3A_234] : memref<10000x128xf32, #tpu.memory_space<hbm>> -> memref<10000x128xf32, #tpu.memory_space<hbm>>
      tpu.enqueue_indirect_dma source(%dma_start3A_235 : memref<10000x128xf32, #tpu.memory_space<hbm>>) target(%dma_start3A_229 : memref<64x128xf32, #tpu.memory_space<vmem>>) offsets(%dma_start3A_232 : memref<64xi32, #tpu.memory_space<vmem>>) semaphore(%arg10 : memref<!tpu.dma_semaphore, #tpu.memory_space<semaphore_mem>>)
      %dma_start3A_236 = arith.constant 64 : i32
      %dma_start3A_237 = arith.constant 0 : i32
      %dma_start3A_238 = tpu.memref_slice %arg7[%dma_start3A_236, %dma_start3A_237] : memref<128x128xf32, #tpu.memory_space<vmem>> -> memref<64x128xf32, #tpu.memory_space<vmem>>
      %dma_start3A_239 = arith.constant 64 : i32
      %dma_start3A_240 = tpu.memref_slice %arg5[%add3A_226, %dma_start3A_239] : memref<40x128xi32, #tpu.memory_space<vmem>> -> memref<1x64xi32, #tpu.memory_space<vmem>>
      %dma_start3A_241 = tpu.memref_squeeze %dma_start3A_240 : memref<1x64xi32, #tpu.memory_space<vmem>> -> memref<64xi32, #tpu.memory_space<vmem>>
      %dma_start3A_242 = arith.constant 0 : i32
      %dma_start3A_243 = arith.constant 0 : i32
      %dma_start3A_244 = tpu.memref_slice %arg3[%dma_start3A_242, %dma_start3A_243] : memref<10000x128xf32, #tpu.memory_space<hbm>> -> memref<10000x128xf32, #tpu.memory_space<hbm>>
      tpu.enqueue_indirect_dma source(%dma_start3A_244 : memref<10000x128xf32, #tpu.memory_space<hbm>>) target(%dma_start3A_238 : memref<64x128xf32, #tpu.memory_space<vmem>>) offsets(%dma_start3A_241 : memref<64xi32, #tpu.memory_space<vmem>>) semaphore(%arg10 : memref<!tpu.dma_semaphore, #tpu.memory_space<semaphore_mem>>)
      %add3A_245 = arith.constant 1 : i32
      %add3A_246 = arith.addi %mul3A_206, %add3A_245 : i32
      %dma_wait3A_247 = arith.constant 0 : i32
      %dma_wait3A_248 = arith.constant 0 : i32
      %dma_wait3A_249 = tpu.memref_slice %arg8[%dma_wait3A_247, %dma_wait3A_248] : memref<128x128xf32, #tpu.memory_space<vmem>> -> memref<64x128xf32, #tpu.memory_space<vmem>>
      %dma_wait3A_250 = arith.constant 0 : i32
      %dma_wait3A_251 = tpu.memref_slice %arg5[%add3A_246, %dma_wait3A_250] : memref<40x128xi32, #tpu.memory_space<vmem>> -> memref<1x64xi32, #tpu.memory_space<vmem>>
      %dma_wait3A_252 = tpu.memref_squeeze %dma_wait3A_251 : memref<1x64xi32, #tpu.memory_space<vmem>> -> memref<64xi32, #tpu.memory_space<vmem>>
      %dma_wait3A_253 = arith.constant 0 : i32
      %dma_wait3A_254 = arith.constant 0 : i32
      %dma_wait3A_255 = tpu.memref_slice %arg3[%dma_wait3A_253, %dma_wait3A_254] : memref<10000x128xf32, #tpu.memory_space<hbm>> -> memref<10000x128xf32, #tpu.memory_space<hbm>>
      tpu.wait_indirect_dma semaphore(%arg11 : memref<!tpu.dma_semaphore, #tpu.memory_space<semaphore_mem>>) src(%dma_wait3A_255 : memref<10000x128xf32, #tpu.memory_space<hbm>>) dst(%dma_wait3A_249 : memref<64x128xf32, #tpu.memory_space<vmem>>)
      %dma_wait3A_256 = arith.constant 64 : i32
      %dma_wait3A_257 = arith.constant 0 : i32
      %dma_wait3A_258 = tpu.memref_slice %arg8[%dma_wait3A_256, %dma_wait3A_257] : memref<128x128xf32, #tpu.memory_space<vmem>> -> memref<64x128xf32, #tpu.memory_space<vmem>>
      %dma_wait3A_259 = arith.constant 64 : i32
      %dma_wait3A_260 = tpu.memref_slice %arg5[%add3A_246, %dma_wait3A_259] : memref<40x128xi32, #tpu.memory_space<vmem>> -> memref<1x64xi32, #tpu.memory_space<vmem>>
      %dma_wait3A_261 = tpu.memref_squeeze %dma_wait3A_260 : memref<1x64xi32, #tpu.memory_space<vmem>> -> memref<64xi32, #tpu.memory_space<vmem>>
      %dma_wait3A_262 = arith.constant 0 : i32
      %dma_wait3A_263 = arith.constant 0 : i32
      %dma_wait3A_264 = tpu.memref_slice %arg3[%dma_wait3A_262, %dma_wait3A_263] : memref<10000x128xf32, #tpu.memory_space<hbm>> -> memref<10000x128xf32, #tpu.memory_space<hbm>>
      tpu.wait_indirect_dma semaphore(%arg11 : memref<!tpu.dma_semaphore, #tpu.memory_space<semaphore_mem>>) src(%dma_wait3A_264 : memref<10000x128xf32, #tpu.memory_space<hbm>>) dst(%dma_wait3A_258 : memref<64x128xf32, #tpu.memory_space<vmem>>)
      %add3A_265 = arith.constant 1 : i32
      %add3A_266 = arith.addi %mul3A_206, %add3A_265 : i32
      "tpu.region"() ({
        %run_scoped3A_287 = tpu.sem_alloc : memref<!tpu.dma_semaphore, #tpu.memory_space<semaphore_mem>>
        %dma_start3A_288 = arith.constant 0 : i32
        %dma_start3A_289 = tpu.memref_slice %arg6[%add3A_266, %dma_start3A_288] : memref<40x128xi32, #tpu.memory_space<vmem>> -> memref<1x128xi32, #tpu.memory_space<vmem>>
        %dma_start3A_290 = tpu.memref_squeeze %dma_start3A_289 : memref<1x128xi32, #tpu.memory_space<vmem>> -> memref<128xi32, #tpu.memory_space<vmem>>
        %dma_start3A_291 = arith.constant 0 : i32
        %dma_start3A_292 = arith.constant 0 : i32
        %dma_start3A_293 = tpu.memref_slice %arg9[%dma_start3A_291, %dma_start3A_292] : memref<10112x128xf32, #tpu.memory_space<vmem_shared>> -> memref<10112x128xf32, #tpu.memory_space<vmem_shared>>
        tpu.enqueue_indirect_dma source(%arg8 : memref<128x128xf32, #tpu.memory_space<vmem>>) target(%dma_start3A_293 : memref<10112x128xf32, #tpu.memory_space<vmem_shared>>) offsets(%dma_start3A_290 : memref<128xi32, #tpu.memory_space<vmem>>) semaphore(%run_scoped3A_287 : memref<!tpu.dma_semaphore, #tpu.memory_space<semaphore_mem>>) {add = true}
        %dma_wait3A_294 = arith.constant 0 : i32
        %dma_wait3A_295 = tpu.memref_slice %arg6[%add3A_266, %dma_wait3A_294] : memref<40x128xi32, #tpu.memory_space<vmem>> -> memref<1x128xi32, #tpu.memory_space<vmem>>
        %dma_wait3A_296 = tpu.memref_squeeze %dma_wait3A_295 : memref<1x128xi32, #tpu.memory_space<vmem>> -> memref<128xi32, #tpu.memory_space<vmem>>
        %dma_wait3A_297 = arith.constant 0 : i32
        %dma_wait3A_298 = arith.constant 0 : i32
        %dma_wait3A_299 = tpu.memref_slice %arg9[%dma_wait3A_297, %dma_wait3A_298] : memref<10112x128xf32, #tpu.memory_space<vmem_shared>> -> memref<10112x128xf32, #tpu.memory_space<vmem_shared>>
        tpu.wait_indirect_dma semaphore(%run_scoped3A_287 : memref<!tpu.dma_semaphore, #tpu.memory_space<semaphore_mem>>) src(%arg8 : memref<128x128xf32, #tpu.memory_space<vmem>>) dst(%dma_wait3A_299 : memref<10112x128xf32, #tpu.memory_space<vmem_shared>>)
        tpu.yield
      }) : () -> ()
      %add3A_267 = arith.constant 3 : i32
      %add3A_268 = arith.addi %mul3A_206, %add3A_267 : i32
      %dma_start3A_269 = arith.constant 0 : i32
      %dma_start3A_270 = arith.constant 0 : i32
      %dma_start3A_271 = tpu.memref_slice %arg8[%dma_start3A_269, %dma_start3A_270] : memref<128x128xf32, #tpu.memory_space<vmem>> -> memref<64x128xf32, #tpu.memory_space<vmem>>
      %dma_start3A_272 = arith.constant 0 : i32
      %dma_start3A_273 = tpu.memref_slice %arg5[%add3A_268, %dma_start3A_272] : memref<40x128xi32, #tpu.memory_space<vmem>> -> memref<1x64xi32, #tpu.memory_space<vmem>>
      %dma_start3A_274 = tpu.memref_squeeze %dma_start3A_273 : memref<1x64xi32, #tpu.memory_space<vmem>> -> memref<64xi32, #tpu.memory_space<vmem>>
      %dma_start3A_275 = arith.constant 0 : i32
      %dma_start3A_276 = arith.constant 0 : i32
      %dma_start3A_277 = tpu.memref_slice %arg3[%dma_start3A_275, %dma_start3A_276] : memref<10000x128xf32, #tpu.memory_space<hbm>> -> memref<10000x128xf32, #tpu.memory_space<hbm>>
      tpu.enqueue_indirect_dma source(%dma_start3A_277 : memref<10000x128xf32, #tpu.memory_space<hbm>>) target(%dma_start3A_271 : memref<64x128xf32, #tpu.memory_space<vmem>>) offsets(%dma_start3A_274 : memref<64xi32, #tpu.memory_space<vmem>>) semaphore(%arg11 : memref<!tpu.dma_semaphore, #tpu.memory_space<semaphore_mem>>)
      %dma_start3A_278 = arith.constant 64 : i32
      %dma_start3A_279 = arith.constant 0 : i32
      %dma_start3A_280 = tpu.memref_slice %arg8[%dma_start3A_278, %dma_start3A_279] : memref<128x128xf32, #tpu.memory_space<vmem>> -> memref<64x128xf32, #tpu.memory_space<vmem>>
      %dma_start3A_281 = arith.constant 64 : i32
      %dma_start3A_282 = tpu.memref_slice %arg5[%add3A_268, %dma_start3A_281] : memref<40x128xi32, #tpu.memory_space<vmem>> -> memref<1x64xi32, #tpu.memory_space<vmem>>
      %dma_start3A_283 = tpu.memref_squeeze %dma_start3A_282 : memref<1x64xi32, #tpu.memory_space<vmem>> -> memref<64xi32, #tpu.memory_space<vmem>>
      %dma_start3A_284 = arith.constant 0 : i32
      %dma_start3A_285 = arith.constant 0 : i32
      %dma_start3A_286 = tpu.memref_slice %arg3[%dma_start3A_284, %dma_start3A_285] : memref<10000x128xf32, #tpu.memory_space<hbm>> -> memref<10000x128xf32, #tpu.memory_space<hbm>>
      tpu.enqueue_indirect_dma source(%dma_start3A_286 : memref<10000x128xf32, #tpu.memory_space<hbm>>) target(%dma_start3A_280 : memref<64x128xf32, #tpu.memory_space<vmem>>) offsets(%dma_start3A_283 : memref<64xi32, #tpu.memory_space<vmem>>) semaphore(%arg11 : memref<!tpu.dma_semaphore, #tpu.memory_space<semaphore_mem>>)
    }
    %scan3A_156 = arith.constant 19 : i32
    %dma_wait3A_157 = arith.constant 38 : i32
    %dma_wait3A_158 = arith.constant 0 : i32
    %dma_wait3A_159 = arith.constant 0 : i32
    %dma_wait3A_160 = tpu.memref_slice %arg7[%dma_wait3A_158, %dma_wait3A_159] : memref<128x128xf32, #tpu.memory_space<vmem>> -> memref<64x128xf32, #tpu.memory_space<vmem>>
    %dma_wait3A_161 = arith.constant 0 : i32
    %dma_wait3A_162 = tpu.memref_slice %arg5[%dma_wait3A_157, %dma_wait3A_161] : memref<40x128xi32, #tpu.memory_space<vmem>> -> memref<1x64xi32, #tpu.memory_space<vmem>>
    %dma_wait3A_163 = tpu.memref_squeeze %dma_wait3A_162 : memref<1x64xi32, #tpu.memory_space<vmem>> -> memref<64xi32, #tpu.memory_space<vmem>>
    %dma_wait3A_164 = arith.constant 0 : i32
    %dma_wait3A_165 = arith.constant 0 : i32
    %dma_wait3A_166 = tpu.memref_slice %arg3[%dma_wait3A_164, %dma_wait3A_165] : memref<10000x128xf32, #tpu.memory_space<hbm>> -> memref<10000x128xf32, #tpu.memory_space<hbm>>
    tpu.wait_indirect_dma semaphore(%arg10 : memref<!tpu.dma_semaphore, #tpu.memory_space<semaphore_mem>>) src(%dma_wait3A_166 : memref<10000x128xf32, #tpu.memory_space<hbm>>) dst(%dma_wait3A_160 : memref<64x128xf32, #tpu.memory_space<vmem>>)
    %dma_wait3A_167 = arith.constant 38 : i32
    %dma_wait3A_168 = arith.constant 64 : i32
    %dma_wait3A_169 = arith.constant 0 : i32
    %dma_wait3A_170 = tpu.memref_slice %arg7[%dma_wait3A_168, %dma_wait3A_169] : memref<128x128xf32, #tpu.memory_space<vmem>> -> memref<64x128xf32, #tpu.memory_space<vmem>>
    %dma_wait3A_171 = arith.constant 64 : i32
    %dma_wait3A_172 = tpu.memref_slice %arg5[%dma_wait3A_167, %dma_wait3A_171] : memref<40x128xi32, #tpu.memory_space<vmem>> -> memref<1x64xi32, #tpu.memory_space<vmem>>
    %dma_wait3A_173 = tpu.memref_squeeze %dma_wait3A_172 : memref<1x64xi32, #tpu.memory_space<vmem>> -> memref<64xi32, #tpu.memory_space<vmem>>
    %dma_wait3A_174 = arith.constant 0 : i32
    %dma_wait3A_175 = arith.constant 0 : i32
    %dma_wait3A_176 = tpu.memref_slice %arg3[%dma_wait3A_174, %dma_wait3A_175] : memref<10000x128xf32, #tpu.memory_space<hbm>> -> memref<10000x128xf32, #tpu.memory_space<hbm>>
    tpu.wait_indirect_dma semaphore(%arg10 : memref<!tpu.dma_semaphore, #tpu.memory_space<semaphore_mem>>) src(%dma_wait3A_176 : memref<10000x128xf32, #tpu.memory_space<hbm>>) dst(%dma_wait3A_170 : memref<64x128xf32, #tpu.memory_space<vmem>>)
    %run_scoped3A_177 = arith.constant 38 : i32
    "tpu.region"() ({
      %run_scoped3A_204 = tpu.sem_alloc : memref<!tpu.dma_semaphore, #tpu.memory_space<semaphore_mem>>
      %dma_start3A_205 = arith.constant 0 : i32
      %dma_start3A_206 = tpu.memref_slice %arg6[%run_scoped3A_177, %dma_start3A_205] : memref<40x128xi32, #tpu.memory_space<vmem>> -> memref<1x128xi32, #tpu.memory_space<vmem>>
      %dma_start3A_207 = tpu.memref_squeeze %dma_start3A_206 : memref<1x128xi32, #tpu.memory_space<vmem>> -> memref<128xi32, #tpu.memory_space<vmem>>
      %dma_start3A_208 = arith.constant 0 : i32
      %dma_start3A_209 = arith.constant 0 : i32
      %dma_start3A_210 = tpu.memref_slice %arg9[%dma_start3A_208, %dma_start3A_209] : memref<10112x128xf32, #tpu.memory_space<vmem_shared>> -> memref<10112x128xf32, #tpu.memory_space<vmem_shared>>
      tpu.enqueue_indirect_dma source(%arg7 : memref<128x128xf32, #tpu.memory_space<vmem>>) target(%dma_start3A_210 : memref<10112x128xf32, #tpu.memory_space<vmem_shared>>) offsets(%dma_start3A_207 : memref<128xi32, #tpu.memory_space<vmem>>) semaphore(%run_scoped3A_204 : memref<!tpu.dma_semaphore, #tpu.memory_space<semaphore_mem>>) {add = true}
      %dma_wait3A_211 = arith.constant 0 : i32
      %dma_wait3A_212 = tpu.memref_slice %arg6[%run_scoped3A_177, %dma_wait3A_211] : memref<40x128xi32, #tpu.memory_space<vmem>> -> memref<1x128xi32, #tpu.memory_space<vmem>>
      %dma_wait3A_213 = tpu.memref_squeeze %dma_wait3A_212 : memref<1x128xi32, #tpu.memory_space<vmem>> -> memref<128xi32, #tpu.memory_space<vmem>>
      %dma_wait3A_214 = arith.constant 0 : i32
      %dma_wait3A_215 = arith.constant 0 : i32
      %dma_wait3A_216 = tpu.memref_slice %arg9[%dma_wait3A_214, %dma_wait3A_215] : memref<10112x128xf32, #tpu.memory_space<vmem_shared>> -> memref<10112x128xf32, #tpu.memory_space<vmem_shared>>
      tpu.wait_indirect_dma semaphore(%run_scoped3A_204 : memref<!tpu.dma_semaphore, #tpu.memory_space<semaphore_mem>>) src(%arg7 : memref<128x128xf32, #tpu.memory_space<vmem>>) dst(%dma_wait3A_216 : memref<10112x128xf32, #tpu.memory_space<vmem_shared>>)
      tpu.yield
    }) : () -> ()
    %dma_wait3A_178 = arith.constant 39 : i32
    %dma_wait3A_179 = arith.constant 0 : i32
    %dma_wait3A_180 = arith.constant 0 : i32
    %dma_wait3A_181 = tpu.memref_slice %arg8[%dma_wait3A_179, %dma_wait3A_180] : memref<128x128xf32, #tpu.memory_space<vmem>> -> memref<64x128xf32, #tpu.memory_space<vmem>>
    %dma_wait3A_182 = arith.constant 0 : i32
    %dma_wait3A_183 = tpu.memref_slice %arg5[%dma_wait3A_178, %dma_wait3A_182] : memref<40x128xi32, #tpu.memory_space<vmem>> -> memref<1x64xi32, #tpu.memory_space<vmem>>
    %dma_wait3A_184 = tpu.memref_squeeze %dma_wait3A_183 : memref<1x64xi32, #tpu.memory_space<vmem>> -> memref<64xi32, #tpu.memory_space<vmem>>
    %dma_wait3A_185 = arith.constant 0 : i32
    %dma_wait3A_186 = arith.constant 0 : i32
    %dma_wait3A_187 = tpu.memref_slice %arg3[%dma_wait3A_185, %dma_wait3A_186] : memref<10000x128xf32, #tpu.memory_space<hbm>> -> memref<10000x128xf32, #tpu.memory_space<hbm>>
    tpu.wait_indirect_dma semaphore(%arg11 : memref<!tpu.dma_semaphore, #tpu.memory_space<semaphore_mem>>) src(%dma_wait3A_187 : memref<10000x128xf32, #tpu.memory_space<hbm>>) dst(%dma_wait3A_181 : memref<64x128xf32, #tpu.memory_space<vmem>>)
    %dma_wait3A_188 = arith.constant 39 : i32
    %dma_wait3A_189 = arith.constant 64 : i32
    %dma_wait3A_190 = arith.constant 0 : i32
    %dma_wait3A_191 = tpu.memref_slice %arg8[%dma_wait3A_189, %dma_wait3A_190] : memref<128x128xf32, #tpu.memory_space<vmem>> -> memref<64x128xf32, #tpu.memory_space<vmem>>
    %dma_wait3A_192 = arith.constant 64 : i32
    %dma_wait3A_193 = tpu.memref_slice %arg5[%dma_wait3A_188, %dma_wait3A_192] : memref<40x128xi32, #tpu.memory_space<vmem>> -> memref<1x64xi32, #tpu.memory_space<vmem>>
    %dma_wait3A_194 = tpu.memref_squeeze %dma_wait3A_193 : memref<1x64xi32, #tpu.memory_space<vmem>> -> memref<64xi32, #tpu.memory_space<vmem>>
    %dma_wait3A_195 = arith.constant 0 : i32
    %dma_wait3A_196 = arith.constant 0 : i32
    %dma_wait3A_197 = tpu.memref_slice %arg3[%dma_wait3A_195, %dma_wait3A_196] : memref<10000x128xf32, #tpu.memory_space<hbm>> -> memref<10000x128xf32, #tpu.memory_space<hbm>>
    tpu.wait_indirect_dma semaphore(%arg11 : memref<!tpu.dma_semaphore, #tpu.memory_space<semaphore_mem>>) src(%dma_wait3A_197 : memref<10000x128xf32, #tpu.memory_space<hbm>>) dst(%dma_wait3A_191 : memref<64x128xf32, #tpu.memory_space<vmem>>)
    %run_scoped3A_198 = arith.constant 39 : i32
    "tpu.region"() ({
      %run_scoped3A_204 = tpu.sem_alloc : memref<!tpu.dma_semaphore, #tpu.memory_space<semaphore_mem>>
      %dma_start3A_205 = arith.constant 0 : i32
      %dma_start3A_206 = tpu.memref_slice %arg6[%run_scoped3A_198, %dma_start3A_205] : memref<40x128xi32, #tpu.memory_space<vmem>> -> memref<1x128xi32, #tpu.memory_space<vmem>>
      %dma_start3A_207 = tpu.memref_squeeze %dma_start3A_206 : memref<1x128xi32, #tpu.memory_space<vmem>> -> memref<128xi32, #tpu.memory_space<vmem>>
      %dma_start3A_208 = arith.constant 0 : i32
      %dma_start3A_209 = arith.constant 0 : i32
      %dma_start3A_210 = tpu.memref_slice %arg9[%dma_start3A_208, %dma_start3A_209] : memref<10112x128xf32, #tpu.memory_space<vmem_shared>> -> memref<10112x128xf32, #tpu.memory_space<vmem_shared>>
      tpu.enqueue_indirect_dma source(%arg8 : memref<128x128xf32, #tpu.memory_space<vmem>>) target(%dma_start3A_210 : memref<10112x128xf32, #tpu.memory_space<vmem_shared>>) offsets(%dma_start3A_207 : memref<128xi32, #tpu.memory_space<vmem>>) semaphore(%run_scoped3A_204 : memref<!tpu.dma_semaphore, #tpu.memory_space<semaphore_mem>>) {add = true}
      %dma_wait3A_211 = arith.constant 0 : i32
      %dma_wait3A_212 = tpu.memref_slice %arg6[%run_scoped3A_198, %dma_wait3A_211] : memref<40x128xi32, #tpu.memory_space<vmem>> -> memref<1x128xi32, #tpu.memory_space<vmem>>
      %dma_wait3A_213 = tpu.memref_squeeze %dma_wait3A_212 : memref<1x128xi32, #tpu.memory_space<vmem>> -> memref<128xi32, #tpu.memory_space<vmem>>
      %dma_wait3A_214 = arith.constant 0 : i32
      %dma_wait3A_215 = arith.constant 0 : i32
      %dma_wait3A_216 = tpu.memref_slice %arg9[%dma_wait3A_214, %dma_wait3A_215] : memref<10112x128xf32, #tpu.memory_space<vmem_shared>> -> memref<10112x128xf32, #tpu.memory_space<vmem_shared>>
      tpu.wait_indirect_dma semaphore(%run_scoped3A_204 : memref<!tpu.dma_semaphore, #tpu.memory_space<semaphore_mem>>) src(%arg8 : memref<128x128xf32, #tpu.memory_space<vmem>>) dst(%dma_wait3A_216 : memref<10112x128xf32, #tpu.memory_space<vmem_shared>>)
      tpu.yield
    }) : () -> ()
    %barrier3A_199 = arith.constant 0 : index
    tpu.barrier barrier_id(%barrier3A_199)
    %mul3A_200 = arith.constant 632 : i32
    %mul3A_201 = arith.muli %arg1, %mul3A_200 : i32
    %mul3A_202 = arith.constant 632 : i32
    %mul3A_203 = arith.muli %arg1, %mul3A_202 : i32
    "tpu.region"() ({
      %run_scoped3A_204 = tpu.sem_alloc : memref<!tpu.dma_semaphore, #tpu.memory_space<semaphore_mem>>
      %dma_start3A_205 = arith.constant 0 : i32
      %dma_start3A_206 = tpu.memref_slice %arg4[%arg0, %mul3A_203, %dma_start3A_205] : memref<2x10112x128xf32, #tpu.memory_space<hbm>> -> memref<1x632x128xf32, #tpu.memory_space<hbm>>
      %dma_start3A_207 = tpu.memref_squeeze %dma_start3A_206 : memref<1x632x128xf32, #tpu.memory_space<hbm>> -> memref<632x128xf32, #tpu.memory_space<hbm>>
      %dma_start3A_208 = arith.constant 0 : i32
      %dma_start3A_209 = tpu.memref_slice %arg9[%mul3A_201, %dma_start3A_208] : memref<10112x128xf32, #tpu.memory_space<vmem_shared>> -> memref<632x128xf32, #tpu.memory_space<vmem_shared>>
      tpu.enqueue_dma source(%dma_start3A_209 : memref<632x128xf32, #tpu.memory_space<vmem_shared>>) target(%dma_start3A_207 : memref<632x128xf32, #tpu.memory_space<hbm>>) target_semaphore(%run_scoped3A_204 : memref<!tpu.dma_semaphore, #tpu.memory_space<semaphore_mem>>)
      %dma_wait3A_210 = arith.constant 0 : i32
      %dma_wait3A_211 = tpu.memref_slice %arg4[%arg0, %mul3A_203, %dma_wait3A_210] : memref<2x10112x128xf32, #tpu.memory_space<hbm>> -> memref<1x632x128xf32, #tpu.memory_space<hbm>>
      %dma_wait3A_212 = tpu.memref_squeeze %dma_wait3A_211 : memref<1x632x128xf32, #tpu.memory_space<hbm>> -> memref<632x128xf32, #tpu.memory_space<hbm>>
      %dma_wait3A_213 = arith.constant 0 : i32
      %dma_wait3A_214 = tpu.memref_slice %arg9[%mul3A_201, %dma_wait3A_213] : memref<10112x128xf32, #tpu.memory_space<vmem_shared>> -> memref<632x128xf32, #tpu.memory_space<vmem_shared>>
      tpu.wait_dma2 semaphore(%run_scoped3A_204 : memref<!tpu.dma_semaphore, #tpu.memory_space<semaphore_mem>>) src(%dma_wait3A_214 : memref<632x128xf32, #tpu.memory_space<vmem_shared>>) dst(%dma_wait3A_212 : memref<632x128xf32, #tpu.memory_space<hbm>>)
      tpu.yield
    }) : () -> ()
    return
  }
}

module attributes {stable_mosaic.version = 14 : i64} {
  func.func @_tc_mlp_body(%arg0: memref<10000x128xf32, #tpu.memory_space<vmem>>, %arg1: memref<2x10112x128xf32, #tpu.memory_space<vmem>>, %arg2: memref<128x128xf32, #tpu.memory_space<vmem>>, %arg3: memref<1x128xf32, #tpu.memory_space<vmem>>, %arg4: memref<128x128xf32, #tpu.memory_space<vmem>>, %arg5: memref<1x128xf32, #tpu.memory_space<vmem>>, %arg6: memref<1x128xf32, #tpu.memory_space<vmem>>, %arg7: memref<1x128xf32, #tpu.memory_space<vmem>>, %arg8: memref<10000x128xf32, #tpu.memory_space<vmem>>) attributes {dimension_semantics = [], scalar_prefetch = 0 : i64, scratch_operands = 0 : i64, tpu.core_type = #tpu.core_type<tc>} {
    %get3A = arith.constant 0 : index
    %get3A_0 = arith.constant 0 : index
    %get3A_1 = arith.constant 0 : index
    %get3A_2 = vector.load %arg1[%get3A, %get3A_0, %get3A_1] : memref<2x10112x128xf32, #tpu.memory_space<vmem>>, vector<1x10000x128xf32>
    %get3A_3 = vector.shape_cast %get3A_2 : vector<1x10000x128xf32> to vector<10000x128xf32>
    %get3A_4 = arith.constant 1 : index
    %get3A_5 = arith.constant 0 : index
    %get3A_6 = arith.constant 0 : index
    %get3A_7 = vector.load %arg1[%get3A_4, %get3A_5, %get3A_6] : memref<2x10112x128xf32, #tpu.memory_space<vmem>>, vector<1x10000x128xf32>
    %get3A_8 = vector.shape_cast %get3A_7 : vector<1x10000x128xf32> to vector<10000x128xf32>
    %add3A = arith.addf %get3A_3, %get3A_8 : vector<10000x128xf32>
    %get3A_9 = arith.constant 0 : index
    %get3A_10 = arith.constant 0 : index
    %get3A_11 = vector.load %arg0[%get3A_9, %get3A_10] : memref<10000x128xf32, #tpu.memory_space<vmem>>, vector<10000x128xf32>
    %mul3A = arith.constant 2.000000e+00 : f32
    %mul3A_12 = vector.broadcast %mul3A : f32 to vector<10000x128xf32>
    %mul3A_13 = arith.mulf %mul3A_12, %get3A_11 : vector<10000x128xf32>
    %add3A_14 = arith.addf %mul3A_13, %add3A : vector<10000x128xf32>
    %get3A_15 = arith.constant 0 : index
    %get3A_16 = arith.constant 0 : index
    %get3A_17 = vector.load %arg2[%get3A_15, %get3A_16] : memref<128x128xf32, #tpu.memory_space<vmem>>, vector<128x128xf32>
    %dot_general3A = arith.constant dense<0.000000e+00> : vector<10000x128xf32>
    %dot_general3A_18 = tpu.matmul %add3A_14, %get3A_17, %dot_general3A {dimension_numbers = #tpu.dot_dimension_numbers<[1], [0], [0], [1], [0, 0, 1, 1], [], []>, transpose_lhs_hint = false} : vector<10000x128xf32>, vector<128x128xf32>, vector<10000x128xf32> -> vector<10000x128xf32>
    %get3A_19 = arith.constant 0 : index
    %get3A_20 = arith.constant 0 : index
    %get3A_21 = vector.load %arg3[%get3A_19, %get3A_20] : memref<1x128xf32, #tpu.memory_space<vmem>>, vector<1x128xf32>
    %add3A_22 = vector.broadcast %get3A_21 : vector<1x128xf32> to vector<10000x128xf32>
    %add3A_23 = arith.addf %dot_general3A_18, %add3A_22 : vector<10000x128xf32>
    %max3A = arith.constant 0.000000e+00 : f32
    %max3A_24 = vector.broadcast %max3A : f32 to vector<10000x128xf32>
    %max3A_25 = arith.maximumf %add3A_23, %max3A_24 : vector<10000x128xf32>
    %get3A_26 = arith.constant 0 : index
    %get3A_27 = arith.constant 0 : index
    %get3A_28 = vector.load %arg4[%get3A_26, %get3A_27] : memref<128x128xf32, #tpu.memory_space<vmem>>, vector<128x128xf32>
    %dot_general3A_29 = arith.constant dense<0.000000e+00> : vector<10000x128xf32>
    %dot_general3A_30 = tpu.matmul %max3A_25, %get3A_28, %dot_general3A_29 {dimension_numbers = #tpu.dot_dimension_numbers<[1], [0], [0], [1], [0, 0, 1, 1], [], []>, transpose_lhs_hint = false} : vector<10000x128xf32>, vector<128x128xf32>, vector<10000x128xf32> -> vector<10000x128xf32>
    %get3A_31 = arith.constant 0 : index
    %get3A_32 = arith.constant 0 : index
    %get3A_33 = vector.load %arg5[%get3A_31, %get3A_32] : memref<1x128xf32, #tpu.memory_space<vmem>>, vector<1x128xf32>
    %add3A_34 = vector.broadcast %get3A_33 : vector<1x128xf32> to vector<10000x128xf32>
    %add3A_35 = arith.addf %dot_general3A_30, %add3A_34 : vector<10000x128xf32>
    %reduce_sum3A = arith.constant dense<0.000000e+00> : vector<128xf32>
    %reduce_sum3A_36 = vector.multi_reduction <add>, %add3A_35, %reduce_sum3A [0] : vector<10000x128xf32> to vector<128xf32>
    %broadcast_in_dim3A = vector.shape_cast %reduce_sum3A_36 : vector<128xf32> to vector<1x128xf32>
    %div3A = arith.constant 1.000000e+04 : f32
    %div3A_37 = vector.broadcast %div3A : f32 to vector<1x128xf32>
    %div3A_38 = arith.divf %broadcast_in_dim3A, %div3A_37 : vector<1x128xf32>
    %sub3A = vector.broadcast %div3A_38 : vector<1x128xf32> to vector<10000x128xf32>
    %sub3A_39 = arith.subf %add3A_35, %sub3A : vector<10000x128xf32>
    %sub3A_40 = vector.broadcast %div3A_38 : vector<1x128xf32> to vector<10000x128xf32>
    %sub3A_41 = arith.subf %add3A_35, %sub3A_40 : vector<10000x128xf32>
    %mul3A_42 = arith.mulf %sub3A_39, %sub3A_41 : vector<10000x128xf32>
    %reduce_sum3A_43 = arith.constant dense<0.000000e+00> : vector<128xf32>
    %reduce_sum3A_44 = vector.multi_reduction <add>, %mul3A_42, %reduce_sum3A_43 [0] : vector<10000x128xf32> to vector<128xf32>
    %broadcast_in_dim3A_45 = vector.shape_cast %reduce_sum3A_44 : vector<128xf32> to vector<1x128xf32>
    %div3A_46 = arith.constant 1.000000e+04 : f32
    %div3A_47 = vector.broadcast %div3A_46 : f32 to vector<1x128xf32>
    %div3A_48 = arith.divf %broadcast_in_dim3A_45, %div3A_47 : vector<1x128xf32>
    %sub3A_49 = vector.broadcast %div3A_38 : vector<1x128xf32> to vector<10000x128xf32>
    %sub3A_50 = arith.subf %add3A_35, %sub3A_49 : vector<10000x128xf32>
    %add3A_51 = arith.constant 9.99999974E-6 : f32
    %add3A_52 = vector.broadcast %add3A_51 : f32 to vector<1x128xf32>
    %add3A_53 = arith.addf %div3A_48, %add3A_52 : vector<1x128xf32>
    %rsqrt3A = math.rsqrt %add3A_53 : vector<1x128xf32>
    %mul3A_54 = vector.broadcast %rsqrt3A : vector<1x128xf32> to vector<10000x128xf32>
    %mul3A_55 = arith.mulf %sub3A_50, %mul3A_54 : vector<10000x128xf32>
    %get3A_56 = arith.constant 0 : index
    %get3A_57 = arith.constant 0 : index
    %get3A_58 = vector.load %arg6[%get3A_56, %get3A_57] : memref<1x128xf32, #tpu.memory_space<vmem>>, vector<1x128xf32>
    %mul3A_59 = vector.broadcast %get3A_58 : vector<1x128xf32> to vector<10000x128xf32>
    %mul3A_60 = arith.mulf %mul3A_55, %mul3A_59 : vector<10000x128xf32>
    %get3A_61 = arith.constant 0 : index
    %get3A_62 = arith.constant 0 : index
    %get3A_63 = vector.load %arg7[%get3A_61, %get3A_62] : memref<1x128xf32, #tpu.memory_space<vmem>>, vector<1x128xf32>
    %add3A_64 = vector.broadcast %get3A_63 : vector<1x128xf32> to vector<10000x128xf32>
    %add3A_65 = arith.addf %mul3A_60, %add3A_64 : vector<10000x128xf32>
    %max3A_66 = arith.constant 0.000000e+00 : f32
    %max3A_67 = vector.broadcast %max3A_66 : f32 to vector<10000x128xf32>
    %max3A_68 = arith.maximumf %add3A_65, %max3A_67 : vector<10000x128xf32>
    %swap3A = arith.constant 0 : index
    %swap3A_69 = arith.constant 0 : index
    %swap3A_70 = vector.load %arg8[%swap3A, %swap3A_69] : memref<10000x128xf32, #tpu.memory_space<vmem>>, vector<10000x128xf32>
    tpu.vector_store %arg8[%swap3A, %swap3A_69], %max3A_68 {strides = array<i32>} : memref<10000x128xf32, #tpu.memory_space<vmem>>, vector<10000x128xf32>,
    return
  }
}

</mosaic_0001>

<sc_bundles>
// kernel: kernel.4.cloned.1.call-start
scs
__scs_entry_jumppad:
0x0: {  	(pc) =	sbr.rel $0x88, $3  }
0x1: {  	(tag) =	ssettag $0x0;
	lr =	simm.s32 $0x1  }
0x2: {  	[smem:$0x3F99] =	sst lr;
	_ =	strace $0xD0000000  }
0x3: {  	_ = 	snop  }
0x4: {  	_ = 	snop  }
0x5: {  	_ = 	snop  }
0x6: {  	_ = 	snop  }
0x7: {  	_ = 	snop  }
__scs_overlays_trampoline_lowered:
0x8: {  	[smem:$0x3FA8] =	sst s0  }
0x9: {  	[smem:$0x3FA9] =	sst s1  }
0xa: {  	[smem:$0x3FAA] =	sst s2  }
0xb: {  	[smem:$0x3FAB] =	sst s3  }
0xc: {  	[smem:$0x3FAC] =	sst s4  }
0xd: {  	[smem:$0x3FAD] =	sst s5  }
0xe: {  	[smem:$0x3FAE] =	sst s6  }
0xf: {  	[smem:$0x3FAF] =	sst s7  }
0x10: {  	[smem:$0x3FB0] =	sst s8  }
0x11: {  	[smem:$0x3FB1] =	sst s9;
	s0 =	simm.s32 @!p0 $0x0  }
0x12: {  	s1 =	sld [smem:$0x3F97];
	s0 =	simm.s32 @p0 $0x1  }
0x13: {  	[smem:$0x3FB2] =	sst s0;
	s0 =	simm.s32 @!p1 $0x0  }
0x14: {  	s2 =	sld [smem:$0x3F96];
	s0 =	simm.s32 @p1 $0x1  }
0x15: {  	[smem:$0x3FB3] =	sst s0;
	s0 =	simm.s32 @!p2 $0x0  }
0x16: {  	s3 =	sld [smem:$0x3FDB];
	s0 =	simm.s32 @p2 $0x1  }
0x17: {  	s4 =	simm.s32 $0x1BF5;
	[smem:$0x3FB5] =	sst s0  }
0x18: {  	s0 =	sld [smem:$0x3F98];
	_ =	swait.ge [sflag:s4], $0x0  }
0x19: {  	s7 =	sld [smem:$0x3F99]  }
0x1a: {  	s8 =	sadd.s32 $0xFFFFE003, lr  }
0x1b: {  	s9 =	sadd.s32 $0xFFFFFEF7, lr;
	s5 =	simm.s32 $0xFFFFFFFF;
	p2 =	slt.u32 s8, $0xFFFFF086  }
0x1c: {  	p1 =	slt.u32 s9, $0xF7A;
	s5 =	simm.s32 @!p2 $0x0  }
0x1d: {  	s5 =	simm.s32 @p1 $0x1;
	p0 =	seq.s32 s7, s2  }
0x1e: {  	s7 =	smul.u32 @!p0 $0xF7A, s2;
	p2 =	seq.s32 @!p0 s5, $0x0  }
0x1f: {  	s9 =	smul.u32 $0xF7A, s1;
	s8 =	simm.s32 @!p0 $0x1BF5;
	p2 =	por !p2, p0  }
0x20: {  	[sflag:s8] =	ssyncset.s32 @!p0 $0xFFFFF086;
	s6 =	sadd.s32 @!p0 s3, s7;
	s7 =	simm.s32 @!p0 $0x108  }
0x21: {  	s3 =	sadd.s32 s3, s9;
	s6 =	sadd.s32 @!p0 $0x88, s6;
	s7 =	simm.s32 @p2 $0x1082  }
0x22: {  	[simem:s7], [sflag:s8] =	dma.local @!p0 [hbm:s6], $0xF7A  }
0x23: {  	s9 =	sor.u32 $0xD0000000, s2;
	s6 =	simm.s32 $0x108;
	_ =	swait.ge @!p0 [sflag:s8], $0x0  }
0x24: {  	s3 =	sadd.s32 $0x88, s3;
	s6 =	simm.s32 @!p1 $0x1082;
	[sflag:s4] =	ssyncset.s32 $0xFFFFF086  }
0x25: {  	[simem:s6], [sflag:s4] =	dma.local [hbm:s3], $0xF7A  }
0x26: {  	[smem:$0x3F99] =	sst s1;
	(tag) =	ssettag s2;
	_ =	strace s9  }
0x27: {  	s1 =	sld [smem:$0x3FA9]  }
0x28: {  	s2 =	sld [smem:$0x3FAA]  }
0x29: {  	s4 =	sld [smem:$0x3FAC]  }
0x2a: {  	p0 =	seq.s32 s5, $0x0;
	s5 =	sld [smem:$0x3FAD]  }
0x2b: {  	s6 =	sld [smem:$0x3FAE]  }
0x2c: {  	s7 =	sld [smem:$0x3FAF]  }
0x2d: {  	s3 =	simm.s32 $0x108;
	s8 =	sld [smem:$0x3FB0]  }
0x2e: {  	s3 =	simm.s32 @!p0 $0x1082;
	s9 =	sld [smem:$0x3FB1]  }
0x2f: {  	lr =	sadd.s32 s0, s3;
	s0 =	sld [smem:$0x3FA8]  }
0x30: {  	s3 =	sld [smem:$0x3FAB]  }
0x31: {  	[smem:$0x3FB4] =	sst s10  }
0x32: {  	s10 =	sld [smem:$0x3FB2];
	_ =	sdelay $0x3  }
0x33: {  	p0 =	seq.s32 s10, $0x1;
	s10 =	sld [smem:$0x3FB4];
	_ =	sdelay $0x3  }
0x34: {  	[smem:$0x3FB4] =	sst s10  }
0x35: {  	s10 =	sld [smem:$0x3FB3];
	_ =	sdelay $0x3  }
0x36: {  	p1 =	seq.s32 s10, $0x1;
	s10 =	sld [smem:$0x3FB4];
	_ =	sdelay $0x3  }
0x37: {  	[smem:$0x3FB4] =	sst s10  }
0x38: {  	s10 =	sld [smem:$0x3FB5]  }
0x39: {  	_ = 	snop;
	(pc) =	sbr.ind lr, $3  }
0x3a: {  	_ = 	snop  }
0x3b: {  	_ = 	snop  }
0x3c: {  	p2 =	seq.s32 s10, $0x1;
	s10 =	sld [smem:$0x3FB4]  }
0x3d: {  	_ =	shalt  }
0x3e: {  	_ =	shalt  }
0x3f: {  	_ =	shalt  }
0x40: {  	_ =	shalt  }
0x41: {  	_ =	shalt  }
0x42: {  	_ =	shalt  }
0x43: {  	_ =	shalt  }
0x44: {  	_ =	shalt  }
0x45: {  	_ =	shalt  }
0x46: {  	_ =	shalt  }
0x47: {  	_ =	shalt  }
0x48: {  	_ =	shalt  }
0x49: {  	_ =	shalt  }
0x4a: {  	_ =	shalt  }
0x4b: {  	_ =	shalt  }
0x4c: {  	_ =	shalt  }
0x4d: {  	_ =	shalt  }
0x4e: {  	_ =	shalt  }
0x4f: {  	_ =	shalt  }
0x50: {  	_ =	shalt  }
0x51: {  	_ =	shalt  }
0x52: {  	_ =	shalt  }
0x53: {  	_ =	shalt  }
0x54: {  	_ =	shalt  }
0x55: {  	_ =	shalt  }
0x56: {  	_ =	shalt  }
0x57: {  	_ =	shalt  }
0x58: {  	_ =	shalt  }
0x59: {  	_ =	shalt  }
0x5a: {  	_ =	shalt  }
0x5b: {  	_ =	shalt  }
0x5c: {  	_ =	shalt  }
0x5d: {  	_ =	shalt  }
0x5e: {  	_ =	shalt  }
0x5f: {  	_ =	shalt  }
0x60: {  	_ =	shalt  }
0x61: {  	_ =	shalt  }
0x62: {  	_ =	shalt  }
0x63: {  	_ =	shalt  }
0x64: {  	_ =	shalt  }
0x65: {  	_ =	shalt  }
0x66: {  	_ =	shalt  }
0x67: {  	_ =	shalt  }
0x68: {  	_ =	shalt  }
0x69: {  	_ =	shalt  }
0x6a: {  	_ =	shalt  }
0x6b: {  	_ =	shalt  }
0x6c: {  	_ =	shalt  }
0x6d: {  	_ =	shalt  }
0x6e: {  	_ =	shalt  }
0x6f: {  	_ =	shalt  }
0x70: {  	_ =	shalt  }
0x71: {  	_ =	shalt  }
0x72: {  	_ =	shalt  }
0x73: {  	_ =	shalt  }
0x74: {  	_ =	shalt  }
0x75: {  	_ =	shalt  }
0x76: {  	_ =	shalt  }
0x77: {  	_ =	shalt  }
0x78: {  	_ =	shalt  }
0x79: {  	_ =	shalt  }
0x7a: {  	_ =	shalt  }
0x7b: {  	_ =	shalt  }
0x7c: {  	_ =	shalt  }
0x7d: {  	_ =	shalt  }
0x7e: {  	_ =	shalt  }
0x7f: {  	_ =	shalt  }
0x80: {  	_ =	shalt  }
0x81: {  	_ =	shalt  }
0x82: {  	_ =	shalt  }
0x83: {  	_ =	shalt  }
0x84: {  	_ =	shalt  }
0x85: {  	_ =	shalt  }
0x86: {  	_ =	shalt  }
0x87: {  	_ =	shalt  }
.Lfunc_end0:
.L_simem_size_0:
called_computation_lowered:
.L_overlay_start_0:
0x88: {  	s2 =	sld [smem:$0x3FD9]  }
0x89: {  	s3 =	sld [smem:$0x3FFE];
	_ =	sdelay $0x1  }
0x8a: {  	s1 =	srdreg.scid  }
0x8b: {  	s0 =	sand.u32 $0x1, s1  }
0x8c: {  	s17 =	sshll.u32 s0, $0xA;
	s2 =	sadd.s32 s3, s2  }
0x8d: {  	s2 =	sadd.s32 s2, s17  }
0x8e: {  	[smem:$0x3FC0] =	sst s2  }
0x8f: {  	_ = 	snop  }
0x90: {  	s2 =	sld [smem:$0x3FC9]  }
0x91: {  	s18 =	sld [smem:$0x3FD0];
	(tm) =	ssettm $0x1  }
0x92: {  	s4 =	sld [smem:$0x3FFB];
	_ =	sdelay $0x3  }
0x93: {  	_ =	strace s4  }
0x94: {  	s4 =	sld [smem:$0x3FFC];
	_ =	sdelay $0x3  }
0x95: {  	_ =	strace s4  }
0x96: {  	s4 =	sld [smem:$0x3FFD];
	_ =	sdelay $0x3  }
0x97: {  	_ =	strace s4  }
0x98: {  	_ =	strace $0x8FFFFFFF  }
0x99: {  	s19 =	sld [smem:$0x3FDB];
	_ =	sdelay $0x1  }
0x9a: {  	s5 =	simm.s32 $_scs_section_size  }
0x9b: {  	s6 =	simm.s32 $_size__tile_overlayer_lowered;
	s7 =	simm.s32 $_tile_overlayer_lowered  }
0x9c: {  	s22 =	simm.s32 $0x1BFF;
	s21 =	sshll.u32 s7, $0x1;
	s4 =	sadd.s32 s5, s19  }
0x9d: {  	s8 =	simm.s32 $0x0;
	s20 =	sshll.u32 s6, $0x1;
	s6 =	sadd.s32 s21, s4  }
0x9e: {  	[timem:s8], [sflag:s22] =	dma.local [hbm:s6], s20  }
0x9f: {  	_ =	swait.ge [sflag:s22], s20  }
0xa0: {  	s5 =	ssub.s32 $0x0, s20;
	[sflag:s22] =	ssyncset.done $0x0  }
0xa1: {  	[sflag:s22] =	ssyncadd.s32 s5;
	_ =	sdelay $0x1  }
0xa2: {  	s23 =	simm.s32 $0x1B8B  }
0xa3: {  	_ =	swait.ge [sflag:s23], $0x1  }
0xa4: {  	[sflag:s23] =	ssyncset.done $0x0  }
0xa5: {  	s25 =	simm.s32 $0x1B8E;
	s24 =	sld [smem:$0x3FFE];
	[sflag:s23] =	ssyncadd.s32 $0xFFFFFFFF  }
0xa6: {  	s26 =	simm.s32 $execute0_lowered;
	[smem:$0x3FD2] =	sst s25  }
0xa7: {  	s6 =	sshll.u32 s26, $0x1;
	_ =	strace $0x80000046;
	[dreg:$0x1] =	wrdreg $0xFFFFFFFF  }
0xa8: {  	s28 =	simm.s32 $_size_execute0_lowered;
	s4 =	sadd.s32 s4, s6;
	[dreg:$0x0] =	wrdreg $0x0  }
0xa9: {  	s6 =	sshll.u32 s28, $0x1;
	[dreg:$0x2] =	wrdreg s4  }
0xaa: {  	[dreg:$0x3] =	wrdreg s6  }
0xab: {  	[dreg:$0x4] =	wrdreg $0xC0  }
0xac: {  	_ =	task [dreg:s8], $0x5FFFF  }
0xad: {  	[dreg:$0x1] =	wrdreg $0xFFFFFFFF  }
0xae: {  	[dreg:$0x0] =	wrdreg $0x60  }
0xaf: {  	[dreg:$0x2] =	wrdreg s18  }
0xb0: {  	[dreg:$0x3] =	wrdreg s2  }
0xb1: {  	[dreg:$0x4] =	wrdreg s24  }
0xb2: {  	[dreg:$0x5] =	wrdreg $0xA8000  }
0xb3: {  	[dreg:$0x6] =	wrdreg $0x9  }
0xb4: {  	_ =	task.clear_ibuf [dreg:s8], $0x7FFFF;
	_ =	strace $0x90000046  }
0xb5: {  	s29 =	simm.s32 $0x9;
	_ =	strace $0x80000048  }
0xb6: {  	_ =	swait.ge [sflag:s29], $0x1  }
0xb7: {  	[sflag:s29] =	ssyncadd.s32 $0xFFFFFFFF  }
0xb8: {  	_ =	strace $0x90000048  }
0xb9: {  	_ =	sfence  }
0xba: {  	s30 =	sld [smem:$0x0];
	_ =	sdelay $0x2  }
0xbb: {  	s31 =	sshll.u32 s1, $0xD;
	s1 =	sshrl.u32 s1, $0x2  }
0xbc: {  	s3 =	sand.u32 $0x4000, s31;
	s1 =	sadd.s32 s1, s30  }
0xbd: {  	s0 =	sor.u32 s3, s0;
	s1 =	sshll.u32 s1, $0x11  }
0xbe: {  	s0 =	sor.u32 s1, s0  }
0xbf: {  	s0 =	sadd.s32 $0x8F2B, s0  }
0xc0: {  	[sflag:s0] =	ssyncadd.remote.s32 $0x1  }
0xc1: {  	_ =	sfence.sel $0xFFFF  }
0xc2: {  	[dreg:$0x0] =	wrdreg $0xFFFFFFFF;
	(pc) =	sbr.abs _section_cstart, $3  }
0xc3: {  	[dreg:$0x1] =	wrdreg $0xFFFFFFFF  }
0xc4: {  	_ =	task.clear_ibuf [dreg:s8], $0x2FFFF;
	_ =	strace $0x9FFFFFFF  }
0xc5: {  	(tm) =	ssettm $0x7FFFFFFF  }
tec
execute0_lowered:
.L_overlay_start_1:
0x0: {  	(tag) =	ssettag $0x1  }
0x1: {  	s0 =	rddreg [dreg:$0x0]  }
0x2: {  	s1 =	rddreg [dreg:$0x1]  }
0x3: {  	s2 =	srdreg.scid;
	s5 =	rddreg [dreg:$0x2]  }
0x4: {  	s9 =	stileid.u32;
	s3 =	rddreg [dreg:$0x3]  }
0x5: {  	s17 =	simm.s32 $0x3;
	s18 =	simm.s32 $0x1400;
	s19 =	simm.s32 $0x40  }
0x6: {  	s20 =	simm.s32 $0x2800;
	s21 =	simm.s32 $0x4800;
	s28 =	simm.s32 $0x2  }
0x7: {  	s29 =	simm.s32 $0x2700;
	s30 =	simm.s32 $0x2780;
	s7 =	smul.u32 $0x13C00, s9  }
0x8: {  	s31 =	simm.s32 $0x0;
	s2 =	sand.u32 $0x1, s2;
	s23 =	smul.u32 $0x4F000, s9  }
0x9: {  	s6 =	smul.u32 $0x13C000, s2;
	s4 =	sshll.u32 s2, $0x4;
	s2 =	ssub.s32 $0x2, s2  }
0xa: {  	s8 =	sor.u32 s9, s4;
	s4 =	simm.s32 $0x0;
	s24 =	sshrl.u32 s2, $0x1  }
0xb: {  	s26 =	sshrl.u32 s23, $0x2;
	s23 =	simm.s32 $0x80;
	s6 =	sadd.s32 s7, s6  }
0xc: {  	s22 =	smul.u32 $0x2800, s8;
	[smem:$0x7FF] =	sst s4;
	s2 =	ssub.s32 s2, s24  }
0xd: {  	s24 =	simm.s32 $0xC0;
	s6 =	sshrl.u32 s6, $0x3;
	_ =	strace $0x80000047  }
0xe: {  	s16 =	smax.u32 s2, $0x1;
	s15 =	sadd.s32 s6, s5;
	s25 =	sshrl.u32 s22, $0x3  }
0xf: {  	s6 =	sadd.s32 s26, s3;
	s22 =	simm.s32 $0x6800;
	s26 =	simm.s32 $0x1  }
0x10: {  	s5 =	sadd.s32 s0, s25;
	s8 =	sadd.s32 $0x3C00, s6;
	s9 =	sadd.s32 $0x7800, s6  }
0x11: {  	s10 =	sadd.s32 $0xB400, s6;
	s11 =	sadd.s32 $0xF000, s6;
	s12 =	sadd.s32 $0x12C00, s6  }
0x12: {  	s15 =	sadd.s32 $0x1C00, s15;
	s25 =	simm.s32 $0x8800;
	s0 =	sadd.s32 $0xA000, s5  }
0x13: {  	v0 =	vimm.f32 $0.0e+00;
	s13 =	sadd.s32 $0x280, s5;
	s14 =	sadd.s32 $0xA280, s5;
	[dreg:$0x5] =	wrdreg s0  }
.LBB2_1:
0x14: {  	[tilespmem:s4], [sflag:$0x3] =	stream.linear.gather [hbm4b:s5+s4], $0x1400, $0x38;
	[tilespmem:$0x1E400] =	vst v63  }
0x15: {  	_ =	swait.ge [sflag:s17], $0x1400  }
0x16: {  	[sflag:s17] =	ssyncset.done $0x0  }
0x17: {  	s0 =	rddreg [dreg:$0x5];
	[sflag:s17] =	ssyncadd.s32 $0xFFFFEC00  }
0x18: {  	[tilespmem:s18], [sflag:$0x3] =	stream.linear.gather [hbm4b:s0+s4], $0x1400, $0x38;
	[tilespmem:$0x1E400] =	vst v63  }
0x19: {  	_ =	swait.ge [sflag:s17], $0x1400  }
0x1a: {  	[sflag:s17] =	ssyncset.done $0x0  }
0x1b: {  	[sflag:s17] =	ssyncadd.s32 $0xFFFFEC00  }
0x1c: {  	[tilespmem:s20], [sflag:$0x1] =	stream.indirect.gather [hbm4b:s1+s19], $0x80, s4, s19, $0xb8;
	[tilespmem:$0x1E400] =	vst v63  }
0x1d: {  	s2 =	simm.s32 $0x0;
	s0 =	simm.s32 $0x200  }
0x1e: {  	[tilespmem:s21], [sflag:$0x1] =	stream.indirect.gather [hbm4b:s1+s19], $0x80, s19, s19, $0xb8;
	[tilespmem:$0x1E400] =	vst v63  }
.LBB2_2:
0x1f: {  	p0 =	sne.s32 s0, $0xEE00;
	[tilespmem:s2+$0x6870] =	vst v0  }
0x20: {  	[tilespmem:s2+$0x6800] =	vst v0  }
0x21: {  	[tilespmem:s2+$0x6810] =	vst v0  }
.Ltmp0:
0x22: {  	[tilespmem:s2+$0x6820] =	vst v0;
	(pc) =	sbr.rel @p0 .LBB2_2-.Ltmp0, $4  }
0x23: {  	[tilespmem:s2+$0x6830] =	vst v0  }
0x24: {  	[tilespmem:s2+$0x6840] =	vst v0  }
0x25: {  	[tilespmem:s2+$0x6850] =	vst v0  }
0x26: {  	[tilespmem:s2+$0x6860] =	vst v0;
	s2 =	sshra.s32 s0, $0x2;
	s0 =	sadd.s32 $0x200, s0  }
0x27: {  	[tilespmem:s2+$0x6870] =	vst v0  }
0x28: {  	[tilespmem:s2+$0x6800] =	vst v0  }
0x29: {  	[tilespmem:s2+$0x6810] =	vst v0  }
0x2a: {  	[tilespmem:s2+$0x6820] =	vst v0  }
0x2b: {  	[tilespmem:s2+$0x6830] =	vst v0  }
0x2c: {  	[tilespmem:s2+$0x6840] =	vst v0  }
0x2d: {  	[tilespmem:s2+$0x6850] =	vst v0  }
0x2e: {  	[tilespmem:s2+$0x6860] =	vst v0  }
0x2f: {  	[spmem:s6] =	stream.linear.scatter [tilespmem:s22], [sflag:$0x3], $0x3C00, $0x38;
	[tilespmem:$0x1E400] =	vst v63  }
0x30: {  	_ =	swait.ge [sflag:s17], $0x3C00  }
0x31: {  	[sflag:s17] =	ssyncset.done $0x0  }
0x32: {  	[sflag:s17] =	ssyncadd.s32 $0xFFFFC400  }
0x33: {  	[spmem:s8] =	stream.linear.scatter [tilespmem:s22], [sflag:$0x3], $0x3C00, $0x38;
	[tilespmem:$0x1E400] =	vst v63  }
0x34: {  	_ =	swait.ge [sflag:s17], $0x3C00  }
0x35: {  	[sflag:s17] =	ssyncset.done $0x0  }
0x36: {  	[sflag:s17] =	ssyncadd.s32 $0xFFFFC400  }
0x37: {  	[spmem:s9] =	stream.linear.scatter [tilespmem:s22], [sflag:$0x3], $0x3C00, $0x38;
	[tilespmem:$0x1E400] =	vst v63  }
0x38: {  	_ =	swait.ge [sflag:s17], $0x3C00  }
0x39: {  	[sflag:s17] =	ssyncset.done $0x0  }
0x3a: {  	[sflag:s17] =	ssyncadd.s32 $0xFFFFC400  }
0x3b: {  	[spmem:s10] =	stream.linear.scatter [tilespmem:s22], [sflag:$0x3], $0x3C00, $0x38;
	[tilespmem:$0x1E400] =	vst v63  }
0x3c: {  	_ =	swait.ge [sflag:s17], $0x3C00  }
0x3d: {  	[sflag:s17] =	ssyncset.done $0x0  }
0x3e: {  	[sflag:s17] =	ssyncadd.s32 $0xFFFFC400  }
0x3f: {  	[spmem:s11] =	stream.linear.scatter [tilespmem:s22], [sflag:$0x3], $0x3C00, $0x38;
	[tilespmem:$0x1E400] =	vst v63  }
0x40: {  	_ =	swait.ge [sflag:s17], $0x3C00  }
0x41: {  	[sflag:s17] =	ssyncset.done $0x0  }
0x42: {  	[sflag:s17] =	ssyncadd.s32 $0xFFFFC400  }
0x43: {  	[spmem:s12] =	stream.linear.scatter [tilespmem:s22], [sflag:$0x3], $0x1000, $0x38;
	[tilespmem:$0x1E400] =	vst v63  }
0x44: {  	_ =	swait.ge [sflag:s17], $0x1000  }
0x45: {  	[sflag:s17] =	ssyncset.done $0x0  }
0x46: {  	[sflag:s17] =	ssyncadd.s32 $0xFFFFF000  }
0x47: {  	[bflag:$0x0] =	sbarrier.arrive $0xFFFF  }
0x48: {  	[tilespmem:s22], [sflag:$0x2] =	stream.indirect.gather [hbm4b:s1+s19], $0x80, s23, s19, $0xb8;
	[tilespmem:$0x1E400] =	vst v63  }
0x49: {  	_ = 	snop  }
0x4a: {  	[tilespmem:s25], [sflag:$0x2] =	stream.indirect.gather [hbm4b:s1+s19], $0x80, s24, s19, $0xb8;
	[tilespmem:$0x1E400] =	vst v63  }
0x4b: {  	_ =	swait.ge [sflag:s26], $0x2000  }
0x4c: {  	[sflag:s26] =	ssyncset.done $0x0  }
0x4d: {  	[sflag:s26] =	ssyncadd.s32 $0xFFFFE000  }
0x4e: {  	_ =	swait.ge [sflag:s26], $0x2000  }
0x4f: {  	[sflag:s26] =	ssyncset.done $0x0  }
0x50: {  	s0 =	simm.s32 $0x1400;
	[sflag:s26] =	ssyncadd.s32 $0xFFFFE000  }
0x51: {  	[spmem:s3] =	stream.indirect.scatter.add.f32 [tilespmem:s20], [sflag:$0x3], $0x80, s0, s23, $0xb8;
	[tilespmem:$0x1E400] =	vst v63  }
0x52: {  	_ =	swait.ge [sflag:s17], $0x4000  }
0x53: {  	[sflag:s17] =	ssyncset.done $0x0  }
0x54: {  	s2 =	simm.s32 $0x100;
	[sflag:s17] =	ssyncadd.s32 $0xFFFFC000  }
0x55: {  	[tilespmem:s20], [sflag:$0x1] =	stream.indirect.gather [hbm4b:s1+s19], $0x80, s2, s19, $0xb8;
	[tilespmem:$0x1E400] =	vst v63  }
0x56: {  	s7 =	simm.s32 $0x140  }
0x57: {  	[tilespmem:s21], [sflag:$0x1] =	stream.indirect.gather [hbm4b:s1+s19], $0x80, s7, s19, $0xb8;
	[tilespmem:$0x1E400] =	vst v63  }
0x58: {  	_ =	swait.ge [sflag:s28], $0x2000  }
0x59: {  	[sflag:s28] =	ssyncset.done $0x0  }
0x5a: {  	[sflag:s28] =	ssyncadd.s32 $0xFFFFE000  }
0x5b: {  	_ =	swait.ge [sflag:s28], $0x2000  }
0x5c: {  	[sflag:s28] =	ssyncset.done $0x0  }
0x5d: {  	s2 =	simm.s32 $0x1480;
	[sflag:s28] =	ssyncadd.s32 $0xFFFFE000  }
0x5e: {  	[spmem:s3] =	stream.indirect.scatter.add.f32 [tilespmem:s22], [sflag:$0x3], $0x80, s2, s23, $0xb8;
	[tilespmem:$0x1E400] =	vst v63  }
0x5f: {  	_ =	swait.ge [sflag:s17], $0x4000  }
0x60: {  	s0 =	simm.s32 $0x1C0;
	[sflag:s17] =	ssyncset.done $0x0  }
0x61: {  	s7 =	simm.s32 $0x180;
	s2 =	simm.s32 $0x400;
	[sflag:s17] =	ssyncadd.s32 $0xFFFFC000  }
0x62: {  	[tilespmem:s22], [sflag:$0x2] =	stream.indirect.gather [hbm4b:s1+s19], $0x80, s7, s19, $0xb8;
	[tilespmem:$0x1E400] =	vst v63  }
.LBB2_4:
0x63: {  	[tilespmem:s25], [sflag:$0x2] =	stream.indirect.gather [hbm4b:s1+s19], $0x80, s0, s19, $0xb8;
	[tilespmem:$0x1E400] =	vst v63  }
0x64: {  	s0 =	smov.u32 s2  }
0x65: {  	p0 =	sne.s32 s2, $0x4800;
	s2 =	sadd.s32 $0x400, s2;
	_ =	swait.ge [sflag:s26], $0x2000  }
0x66: {  	[sflag:s26] =	ssyncset.done $0x0  }
0x67: {  	[sflag:s26] =	ssyncadd.s32 $0xFFFFE000  }
0x68: {  	_ =	swait.ge [sflag:s26], $0x2000  }
0x69: {  	s0 =	sshra.s32 s0, $0x2;
	[sflag:s26] =	ssyncset.done $0x0  }
0x6a: {  	s7 =	sadd.s32 $0x1400, s0;
	[sflag:s26] =	ssyncadd.s32 $0xFFFFE000  }
0x6b: {  	[spmem:s3] =	stream.indirect.scatter.add.f32 [tilespmem:s20], [sflag:$0x3], $0x80, s7, s23, $0xb8;
	[tilespmem:$0x1E400] =	vst v63  }
0x6c: {  	_ =	swait.ge [sflag:s17], $0x4000  }
0x6d: {  	[sflag:s17] =	ssyncset.done $0x0  }
0x6e: {  	s7 =	sadd.s32 $0x100, s0;
	[sflag:s17] =	ssyncadd.s32 $0xFFFFC000  }
0x6f: {  	[tilespmem:s20], [sflag:$0x1] =	stream.indirect.gather [hbm4b:s1+s19], $0x80, s7, s19, $0xb8;
	[tilespmem:$0x1E400] =	vst v63  }
0x70: {  	s7 =	sadd.s32 $0x140, s0  }
0x71: {  	[tilespmem:s21], [sflag:$0x1] =	stream.indirect.gather [hbm4b:s1+s19], $0x80, s7, s19, $0xb8;
	[tilespmem:$0x1E400] =	vst v63  }
0x72: {  	_ =	swait.ge [sflag:s28], $0x2000  }
0x73: {  	[sflag:s28] =	ssyncset.done $0x0  }
0x74: {  	[sflag:s28] =	ssyncadd.s32 $0xFFFFE000  }
0x75: {  	_ =	swait.ge [sflag:s28], $0x2000  }
0x76: {  	[sflag:s28] =	ssyncset.done $0x0  }
0x77: {  	s7 =	sadd.s32 $0x1480, s0;
	[sflag:s28] =	ssyncadd.s32 $0xFFFFE000  }
0x78: {  	[spmem:s3] =	stream.indirect.scatter.add.f32 [tilespmem:s22], [sflag:$0x3], $0x80, s7, s23, $0xb8;
	[tilespmem:$0x1E400] =	vst v63  }
.Ltmp1:
0x79: {  	_ =	swait.ge [sflag:s17], $0x4000;
	(pc) =	sbr.rel @p0 .LBB2_4-.Ltmp1, $4  }
0x7a: {  	[sflag:s17] =	ssyncset.done $0x0  }
0x7b: {  	s7 =	sadd.s32 $0x180, s0;
	[sflag:s17] =	ssyncadd.s32 $0xFFFFC000  }
0x7c: {  	[tilespmem:s22], [sflag:$0x2] =	stream.indirect.gather [hbm4b:s1+s19], $0x80, s7, s19, $0xb8;
	[tilespmem:$0x1E400] =	vst v63  }
0x7d: {  	s0 =	sadd.s32 $0x1C0, s0  }
0x7e: {  	[tilespmem:s25], [sflag:$0x2] =	stream.indirect.gather [hbm4b:s1+s19], $0x80, s0, s19, $0xb8;
	[tilespmem:$0x1E400] =	vst v63  }
0x7f: {  	_ =	swait.ge [sflag:s26], $0x2000  }
0x80: {  	[sflag:s26] =	ssyncset.done $0x0  }
0x81: {  	[sflag:s26] =	ssyncadd.s32 $0xFFFFE000  }
0x82: {  	_ =	swait.ge [sflag:s26], $0x2000  }
0x83: {  	[sflag:s26] =	ssyncset.done $0x0  }
0x84: {  	[sflag:s26] =	ssyncadd.s32 $0xFFFFE000  }
0x85: {  	[spmem:s3] =	stream.indirect.scatter.add.f32 [tilespmem:s20], [sflag:$0x3], $0x80, s29, s23, $0xb8;
	[tilespmem:$0x1E400] =	vst v63  }
0x86: {  	_ =	swait.ge [sflag:s17], $0x4000  }
0x87: {  	[sflag:s17] =	ssyncset.done $0x0  }
0x88: {  	[sflag:s17] =	ssyncadd.s32 $0xFFFFC000  }
0x89: {  	_ =	swait.ge [sflag:s28], $0x2000  }
0x8a: {  	[sflag:s28] =	ssyncset.done $0x0  }
0x8b: {  	[sflag:s28] =	ssyncadd.s32 $0xFFFFE000  }
0x8c: {  	_ =	swait.ge [sflag:s28], $0x2000  }
0x8d: {  	[sflag:s28] =	ssyncset.done $0x0  }
0x8e: {  	[sflag:s28] =	ssyncadd.s32 $0xFFFFE000  }
0x8f: {  	[spmem:s3] =	stream.indirect.scatter.add.f32 [tilespmem:s22], [sflag:$0x3], $0x80, s30, s23, $0xb8;
	[tilespmem:$0x1E400] =	vst v63  }
0x90: {  	_ =	swait.ge [sflag:s17], $0x4000  }
0x91: {  	[sflag:s17] =	ssyncset.done $0x0  }
0x92: {  	s2 =	simm.s32 $0x0;
	[sflag:s17] =	ssyncadd.s32 $0xFFFFC000  }
0x93: {  	[tilespmem:s2], [sflag:$0x3] =	stream.linear.gather [hbm4b:s13+s2], $0x1400, $0x38;
	[tilespmem:$0x1E400] =	vst v63  }
0x94: {  	_ =	swait.ge [sflag:s17], $0x1400  }
0x95: {  	[sflag:s17] =	ssyncset.done $0x0  }
0x96: {  	[sflag:s17] =	ssyncadd.s32 $0xFFFFEC00  }
0x97: {  	[tilespmem:s18], [sflag:$0x3] =	stream.linear.gather [hbm4b:s14+s2], $0x1400, $0x38;
	[tilespmem:$0x1E400] =	vst v63  }
0x98: {  	_ =	swait.ge [sflag:s17], $0x1400  }
0x99: {  	[sflag:s17] =	ssyncset.done $0x0  }
0x9a: {  	[sflag:s17] =	ssyncadd.s32 $0xFFFFEC00  }
0x9b: {  	[tilespmem:s20], [sflag:$0x1] =	stream.indirect.gather [hbm4b:s1+s19], $0x80, s2, s19, $0xb8;
	[tilespmem:$0x1E400] =	vst v63  }
0x9c: {  	_ = 	snop  }
0x9d: {  	[tilespmem:s21], [sflag:$0x1] =	stream.indirect.gather [hbm4b:s1+s19], $0x80, s19, s19, $0xb8;
	[tilespmem:$0x1E400] =	vst v63  }
0x9e: {  	_ = 	snop  }
0x9f: {  	[tilespmem:s22], [sflag:$0x2] =	stream.indirect.gather [hbm4b:s1+s19], $0x80, s23, s19, $0xb8;
	[tilespmem:$0x1E400] =	vst v63  }
0xa0: {  	_ = 	snop  }
0xa1: {  	[tilespmem:s25], [sflag:$0x2] =	stream.indirect.gather [hbm4b:s1+s19], $0x80, s24, s19, $0xb8;
	[tilespmem:$0x1E400] =	vst v63  }
0xa2: {  	_ =	swait.ge [sflag:s26], $0x2000  }
0xa3: {  	[sflag:s26] =	ssyncset.done $0x0  }
0xa4: {  	[sflag:s26] =	ssyncadd.s32 $0xFFFFE000  }
0xa5: {  	_ =	swait.ge [sflag:s26], $0x2000  }
0xa6: {  	[sflag:s26] =	ssyncset.done $0x0  }
0xa7: {  	s7 =	simm.s32 $0x1400;
	[sflag:s26] =	ssyncadd.s32 $0xFFFFE000  }
0xa8: {  	[spmem:s3] =	stream.indirect.scatter.add.f32 [tilespmem:s20], [sflag:$0x3], $0x80, s7, s23, $0xb8;
	[tilespmem:$0x1E400] =	vst v63  }
0xa9: {  	_ =	swait.ge [sflag:s17], $0x4000  }
0xaa: {  	[sflag:s17] =	ssyncset.done $0x0  }
0xab: {  	s2 =	simm.s32 $0x100;
	[sflag:s17] =	ssyncadd.s32 $0xFFFFC000  }
0xac: {  	[tilespmem:s20], [sflag:$0x1] =	stream.indirect.gather [hbm4b:s1+s19], $0x80, s2, s19, $0xb8;
	[tilespmem:$0x1E400] =	vst v63  }
0xad: {  	s7 =	simm.s32 $0x140  }
0xae: {  	[tilespmem:s21], [sflag:$0x1] =	stream.indirect.gather [hbm4b:s1+s19], $0x80, s7, s19, $0xb8;
	[tilespmem:$0x1E400] =	vst v63  }
0xaf: {  	_ =	swait.ge [sflag:s28], $0x2000  }
0xb0: {  	[sflag:s28] =	ssyncset.done $0x0  }
0xb1: {  	[sflag:s28] =	ssyncadd.s32 $0xFFFFE000  }
0xb2: {  	_ =	swait.ge [sflag:s28], $0x2000  }
0xb3: {  	[sflag:s28] =	ssyncset.done $0x0  }
0xb4: {  	s2 =	simm.s32 $0x1480;
	[sflag:s28] =	ssyncadd.s32 $0xFFFFE000  }
0xb5: {  	[spmem:s3] =	stream.indirect.scatter.add.f32 [tilespmem:s22], [sflag:$0x3], $0x80, s2, s23, $0xb8;
	[tilespmem:$0x1E400] =	vst v63  }
0xb6: {  	_ =	swait.ge [sflag:s17], $0x4000  }
0xb7: {  	s0 =	simm.s32 $0x1C0;
	[sflag:s17] =	ssyncset.done $0x0  }
0xb8: {  	s7 =	simm.s32 $0x180;
	s2 =	simm.s32 $0x400;
	[sflag:s17] =	ssyncadd.s32 $0xFFFFC000  }
0xb9: {  	[tilespmem:s22], [sflag:$0x2] =	stream.indirect.gather [hbm4b:s1+s19], $0x80, s7, s19, $0xb8;
	[tilespmem:$0x1E400] =	vst v63  }
.LBB2_6:
0xba: {  	[tilespmem:s25], [sflag:$0x2] =	stream.indirect.gather [hbm4b:s1+s19], $0x80, s0, s19, $0xb8;
	[tilespmem:$0x1E400] =	vst v63  }
0xbb: {  	s0 =	smov.u32 s2  }
0xbc: {  	p0 =	sne.s32 s2, $0x4800;
	s2 =	sadd.s32 $0x400, s2;
	_ =	swait.ge [sflag:s26], $0x2000  }
0xbd: {  	[sflag:s26] =	ssyncset.done $0x0  }
0xbe: {  	[sflag:s26] =	ssyncadd.s32 $0xFFFFE000  }
0xbf: {  	_ =	swait.ge [sflag:s26], $0x2000  }
0xc0: {  	s0 =	sshra.s32 s0, $0x2;
	[sflag:s26] =	ssyncset.done $0x0  }
0xc1: {  	s7 =	sadd.s32 $0x1400, s0;
	[sflag:s26] =	ssyncadd.s32 $0xFFFFE000  }
0xc2: {  	[spmem:s3] =	stream.indirect.scatter.add.f32 [tilespmem:s20], [sflag:$0x3], $0x80, s7, s23, $0xb8;
	[tilespmem:$0x1E400] =	vst v63  }
0xc3: {  	_ =	swait.ge [sflag:s17], $0x4000  }
0xc4: {  	[sflag:s17] =	ssyncset.done $0x0  }
0xc5: {  	s7 =	sadd.s32 $0x100, s0;
	[sflag:s17] =	ssyncadd.s32 $0xFFFFC000  }
0xc6: {  	[tilespmem:s20], [sflag:$0x1] =	stream.indirect.gather [hbm4b:s1+s19], $0x80, s7, s19, $0xb8;
	[tilespmem:$0x1E400] =	vst v63  }
0xc7: {  	s7 =	sadd.s32 $0x140, s0  }
0xc8: {  	[tilespmem:s21], [sflag:$0x1] =	stream.indirect.gather [hbm4b:s1+s19], $0x80, s7, s19, $0xb8;
	[tilespmem:$0x1E400] =	vst v63  }
0xc9: {  	_ =	swait.ge [sflag:s28], $0x2000  }
0xca: {  	[sflag:s28] =	ssyncset.done $0x0  }
0xcb: {  	[sflag:s28] =	ssyncadd.s32 $0xFFFFE000  }
0xcc: {  	_ =	swait.ge [sflag:s28], $0x2000  }
0xcd: {  	[sflag:s28] =	ssyncset.done $0x0  }
0xce: {  	s7 =	sadd.s32 $0x1480, s0;
	[sflag:s28] =	ssyncadd.s32 $0xFFFFE000  }
0xcf: {  	[spmem:s3] =	stream.indirect.scatter.add.f32 [tilespmem:s22], [sflag:$0x3], $0x80, s7, s23, $0xb8;
	[tilespmem:$0x1E400] =	vst v63  }
.Ltmp2:
0xd0: {  	_ =	swait.ge [sflag:s17], $0x4000;
	(pc) =	sbr.rel @p0 .LBB2_6-.Ltmp2, $4  }
0xd1: {  	[sflag:s17] =	ssyncset.done $0x0  }
0xd2: {  	s7 =	sadd.s32 $0x180, s0;
	[sflag:s17] =	ssyncadd.s32 $0xFFFFC000  }
0xd3: {  	[tilespmem:s22], [sflag:$0x2] =	stream.indirect.gather [hbm4b:s1+s19], $0x80, s7, s19, $0xb8;
	[tilespmem:$0x1E400] =	vst v63  }
0xd4: {  	s0 =	sadd.s32 $0x1C0, s0  }
0xd5: {  	[tilespmem:s25], [sflag:$0x2] =	stream.indirect.gather [hbm4b:s1+s19], $0x80, s0, s19, $0xb8;
	[tilespmem:$0x1E400] =	vst v63  }
0xd6: {  	_ =	swait.ge [sflag:s26], $0x2000  }
0xd7: {  	[sflag:s26] =	ssyncset.done $0x0  }
0xd8: {  	[sflag:s26] =	ssyncadd.s32 $0xFFFFE000  }
0xd9: {  	_ =	swait.ge [sflag:s26], $0x2000  }
0xda: {  	[sflag:s26] =	ssyncset.done $0x0  }
0xdb: {  	[sflag:s26] =	ssyncadd.s32 $0xFFFFE000  }
0xdc: {  	[spmem:s3] =	stream.indirect.scatter.add.f32 [tilespmem:s20], [sflag:$0x3], $0x80, s29, s23, $0xb8;
	[tilespmem:$0x1E400] =	vst v63  }
0xdd: {  	_ =	swait.ge [sflag:s17], $0x4000  }
0xde: {  	[sflag:s17] =	ssyncset.done $0x0  }
0xdf: {  	[sflag:s17] =	ssyncadd.s32 $0xFFFFC000  }
0xe0: {  	_ =	swait.ge [sflag:s28], $0x2000  }
0xe1: {  	[sflag:s28] =	ssyncset.done $0x0  }
0xe2: {  	[sflag:s28] =	ssyncadd.s32 $0xFFFFE000  }
0xe3: {  	_ =	swait.ge [sflag:s28], $0x2000  }
0xe4: {  	[sflag:s28] =	ssyncset.done $0x0  }
0xe5: {  	[sflag:s28] =	ssyncadd.s32 $0xFFFFE000  }
0xe6: {  	[spmem:s3] =	stream.indirect.scatter.add.f32 [tilespmem:s22], [sflag:$0x3], $0x80, s30, s23, $0xb8;
	[tilespmem:$0x1E400] =	vst v63  }
0xe7: {  	s7 =	stileid.u32;
	_ =	swait.ge [sflag:s17], $0x4000  }
0xe8: {  	s2 =	sshrl.u32 s6, $0x3;
	s31 =	sadd.s32 $0x1, s31;
	[sflag:s17] =	ssyncset.done $0x0  }
0xe9: {  	s0 =	sshll.u32 s7, $0x6;
	p0 =	sne.s32 s31, s16;
	[sflag:s17] =	ssyncadd.s32 $0xFFFFC000  }
.Ltmp3:
0xea: {  	s0 =	sor.u32 $0x1C03, s0;
	[bflag:$0x0] =	sbarrier.arrive $0xFFFF;
	(pc) =	sbr.rel @p0 .LBB2_1-.Ltmp3, $4  }
0xeb: {  	[hbm:s15], [sflag:s0] =	dma.local [spmem:s2], $0x2780  }
0xec: {  	_ =	swait.ge [sflag:s17], $0x2780  }
0xed: {  	[sflag:s17] =	ssyncset.done $0x0  }
0xee: {  	[sflag:s17] =	ssyncadd.s32 $0xFFFFD880  }
0xef: {  	_ =	sfence.sel $0x180000  }
0xf0: {  	[bflag:$0x0] =	sbarrier.arrive $0xFFFF  }
0xf1: {  	_ =	strace $0x90000047  }
0xf2: {  	s0 =	stileid.u32;
	[bflag:$0x2] =	sbarrier.arrive $0xFFFF  }
0xf3: {  	p0 =	sne.s32 s0, $0x0;
	s0 =	rddreg [dreg:$0x4]  }
0xf4: {  	s0 =	sadd.s32 @!p0 $0x100000, s0  }
0xf5: {  	[sflag:s0] =	ssyncadd.tile.s32 @!p0 $0x1;
	_ =	shalt  }
.Lfunc_end2:
_tile_overlayer_lowered:
.L_overlay_start_2:
0xf6: {  	(tag) =	ssettag $0x2  }
0xf7: {  	s0 =	rddreg [dreg:$0x0];
	s2 =	stileid.u32  }
0xf8: {  	s1 =	rddreg [dreg:$0x1];
	p0 =	sne.s32 s2, $0x0  }
0xf9: {  	s3 =	rddreg [dreg:$0x2];
	[bflag:$0x3] =	sbarrier.arrive $0xFFFF;
	s2 =	simm.s32 @!p0 $0x1C03  }
0xfa: {  	[timem:s3], [sflag:s2] =	dma.local @!p0 [hbm:s0], s1  }
0xfb: {  	s0 =	simm.s32 @!p0 $0x3  }
0xfc: {  	_ =	swait.ge @!p0 [sflag:s0], s1  }
0xfd: {  	s1 =	ssub.s32 @!p0 $0x0, s1;
	[sflag:s0] =	ssyncset.done @!p0 $0x0  }
0xfe: {  	[sflag:s0] =	ssyncadd.s32 @!p0 s1  }
0xff: {  	[bflag:$0x3] =	sbarrier.arrive $0xFFFF  }
0x100: {  	_ =	shalt  }

</sc_bundles>
